<compile_context>
chip_gen: v7x
topology: tpu7x:2x2x1
jax: 0.10.2.dev20260603
libtpu: 0.0.44.dev20260713+nightly
codegen_flags: <defaults>
</compile_context>

<pallas_src>
import functools

import jax
import jax.numpy as jnp
from jax import lax
from jax.experimental import pallas as pl
from jax.experimental.pallas import tpu as pltpu
from jax.experimental.pallas import tpu_sc as plsc

_EPS = 1e-12


def _argmax_body(x_ref, cb_ref, idx_ref, cbn_scr, *, kc, tm):
    K = cb_ref.shape[0]

    @pl.when(pl.program_id(0) == 0)
    def _init():
        c = cb_ref[...]
        n = jnp.sqrt(jnp.sum(c * c, axis=1, keepdims=True))
        cbn_scr[...] = c / jnp.maximum(n, _EPS)

    xb = x_ref[...]
    xn = xb / jnp.maximum(jnp.sqrt(jnp.sum(xb * xb, axis=1, keepdims=True)), _EPS)
    nchunk = K // kc
    colsf = lax.broadcasted_iota(jnp.int32, (1, kc), 1).astype(jnp.float32)
    best_v = jnp.full((tm, 1), -jnp.inf, jnp.float32)
    best_i = jnp.zeros((tm, 1), jnp.float32)
    for c in range(nchunk):
        cb = cbn_scr[pl.ds(c * kc, kc), :]
        s = lax.dot_general(xn, cb, (((1,), (1,)), ((), ())),
                            preferred_element_type=jnp.float32)
        m = jnp.max(s, axis=1, keepdims=True)
        li = jnp.min(jnp.where(s >= m, colsf, float(K)), axis=1, keepdims=True)
        upd = m > best_v
        best_i = jnp.where(upd, li + float(c * kc), best_i)
        best_v = jnp.where(upd, m, best_v)
    idx_ref[...] = best_i.astype(jnp.int32)


def _argmax_sims(x_flat, cb):
    M, D = x_flat.shape
    K = cb.shape[0]
    tm, kc = 1152, 512
    return pl.pallas_call(
        functools.partial(_argmax_body, kc=kc, tm=tm),
        grid=(M // tm,),
        in_specs=[
            pl.BlockSpec((tm, D), lambda i: (i, 0)),
            pl.BlockSpec((K, D), lambda i: (0, 0)),
        ],
        out_specs=pl.BlockSpec((tm, 1), lambda i: (i, 0)),
        out_shape=jax.ShapeDtypeStruct((M, 1), jnp.int32),
        scratch_shapes=[pltpu.VMEM((K, D), jnp.float32)],
    )(x_flat, cb)


def _make_sc_gather(K, D, M):
    info = plsc.get_sparse_core_info()
    NC, NS = info.num_cores, info.num_subcores
    NW = NC * NS
    rows_w = M // NW
    chunk = 96
    nchunks = rows_w // chunk
    assert rows_w % chunk == 0 and (chunk * D * 4) % 64 == 0
    mesh = plsc.VectorSubcoreMesh(core_axis_name="c", subcore_axis_name="s")

    @functools.partial(
        pl.kernel, mesh=mesh,
        out_type=jax.ShapeDtypeStruct((M, D), jnp.float32),
        scratch_types=[
            pltpu.VMEM((chunk,), jnp.int32),
            pltpu.VMEM((chunk, D), jnp.float32),
            pltpu.SemaphoreType.DMA,
        ],
    )
    def gather_k(cb_hbm, idx_hbm, out_hbm, idx_v, rows_v, sem):
        wid = lax.axis_index("s") * NC + lax.axis_index("c")
        for c in range(nchunks):
            base = (wid * nchunks + c) * chunk
            pltpu.sync_copy(idx_hbm.at[pl.ds(base, chunk)], idx_v)
            pltpu.async_copy(cb_hbm.at[idx_v], rows_v, sem).wait()
            pltpu.sync_copy(rows_v, out_hbm.at[pl.ds(base, chunk)])

    return gather_k


def kernel(x, codebook):
    Bs, Ts, D = x.shape
    K = codebook.shape[0]
    x_flat = x.reshape(-1, D)
    M = x_flat.shape[0]
    idx = _argmax_sims(x_flat, codebook).reshape(-1)
    z_q = _make_sc_gather(K, D, M)(codebook, idx)
    return z_q.reshape(Bs, Ts, D), idx.reshape(Bs, Ts)

# --- scband reference (transcript-rebuilt; emitter-appended) ---
"""Pipeline reference for scband-epistemic-quantizer-17875653886595 (READ-ONLY COPY).

The authoritative reference and input builder live on the scoring server;
editing this copy changes nothing except your own understanding.
"""

import jax, jax.numpy as jnp
import numpy as np

B, T, D_TOK = 16, 576, 256
MAX_VOCAB = 8192
GUMBEL_TAU = 0.7


def _normalize(x, axis=-1, eps=1e-12):
    n = jnp.linalg.norm(x, axis=axis, keepdims=True)
    return x / jnp.maximum(n, eps)


def setup_inputs(seed: int = 0) -> dict:
    key = jax.random.key(seed)
    kx, kc = jax.random.split(key)
    x = jax.random.normal(kx, (B, T, D_TOK), dtype=jnp.float32)
    # codebook = nn.Embedding(max_vocab, d_tok) with normal init, std = d_tok**-0.5
    codebook = jax.random.normal(kc, (MAX_VOCAB, D_TOK), dtype=jnp.float32) * (D_TOK ** -0.5)
    return {"x": x, "codebook": codebook}


def reference(x, codebook):
    # Eval-mode forward of EpistemicQuantizer: cosine-sim quantization +
    # gumbel-softmax straight-through assignment + STE on z_q.
    # init_vocab == max_vocab, so the full codebook is active.
    Bs, Ts, D = x.shape
    x_flat = x.reshape(-1, D)
    x_norm = _normalize(x_flat, axis=-1)
    cb_norm = _normalize(codebook, axis=-1)
    sims = x_norm @ cb_norm.T                      # (B*T, K)
    indices = jnp.argmax(sims, axis=-1)            # (B*T,)
    v_cur = codebook.shape[0]
    hard_assign = jax.nn.one_hot(indices, v_cur, dtype=x_flat.dtype)
    # gumbel_softmax(sims, tau=0.7, hard=False)
    gkey = jax.random.key(42)
    u = jax.random.uniform(gkey, sims.shape, dtype=x_flat.dtype, minval=1e-10, maxval=1.0)
    gumbel = -jnp.log(-jnp.log(u))
    soft_assign = jax.nn.softmax((sims + gumbel) / GUMBEL_TAU, axis=-1)
    assign_st = hard_assign + soft_assign - jax.lax.stop_gradient(soft_assign)
    z_q_flat = assign_st @ codebook                # (B*T, D)
    z_q = z_q_flat.reshape(Bs, Ts, D)
    z_q_ste = x + jax.lax.stop_gradient(z_q - x) + (z_q - jax.lax.stop_gradient(z_q))
    return z_q_ste, indices.reshape(Bs, Ts)

if __name__ == "__main__":
    import jax
    _d = setup_inputs()
    print(jax.jit(kernel)(*tuple(_d.values())))

</pallas_src>

<mosaic_0001>
#map = affine_map<(d0, d1) -> (0, 0)>
#map1 = affine_map<(d0, d1) -> (0)>
module attributes {stable_mosaic.version = 14 : i64} {
  func.func @gather_k(%arg0: i32, %arg1: i32, %arg2: memref<8192x256xf32, #tpu.memory_space<hbm>>, %arg3: memref<9216xi32, #tpu.memory_space<hbm>>, %arg4: memref<9216x256xf32, #tpu.memory_space<hbm>>, %arg5: memref<96xi32, #tpu.memory_space<vmem>>, %arg6: memref<96x256xf32, #tpu.memory_space<vmem>>, %arg7: memref<!tpu.dma_semaphore, #tpu.memory_space<semaphore_mem>>) attributes {dimension_semantics = [#tpu.dimension_semantics<core_parallel>, #tpu.dimension_semantics<subcore_parallel>], iteration_bounds = array<i64: 2, 16>, scalar_prefetch = 0 : i64, scratch_operands = 3 : i64, tpu.core_type = #tpu.core_type<sc_vector_subcore>, window_params = [{transform_indices = #map}, {transform_indices = #map1}, {transform_indices = #map}]} {
    %mul3A = arith.constant 2 : i32
    %mul3A_0 = arith.muli %arg1, %mul3A : i32
    %add3A = arith.addi %mul3A_0, %arg0 : i32
    %mul3A_1 = arith.constant 3 : i32
    %mul3A_2 = arith.muli %add3A, %mul3A_1 : i32
    %add3A_3 = arith.constant 0 : i32
    %add3A_4 = arith.addi %mul3A_2, %add3A_3 : i32
    %mul3A_5 = arith.constant 96 : i32
    %mul3A_6 = arith.muli %add3A_4, %mul3A_5 : i32
    "tpu.region"() ({
      %run_scoped3A = tpu.sem_alloc : memref<!tpu.dma_semaphore, #tpu.memory_space<semaphore_mem>>
      %dma_start3A_35 = tpu.memref_slice %arg3[%mul3A_6] : memref<9216xi32, #tpu.memory_space<hbm>> -> memref<96xi32, #tpu.memory_space<hbm>>
      %dma_start3A_36 = tpu.memref_slice %arg3[%mul3A_6] : memref<9216xi32, #tpu.memory_space<hbm>> -> memref<96xi32, #tpu.memory_space<hbm>>
      tpu.enqueue_dma source(%dma_start3A_36 : memref<96xi32, #tpu.memory_space<hbm>>) target(%arg5 : memref<96xi32, #tpu.memory_space<vmem>>) target_semaphore(%run_scoped3A : memref<!tpu.dma_semaphore, #tpu.memory_space<semaphore_mem>>)
      %dma_wait3A_37 = tpu.memref_slice %arg3[%mul3A_6] : memref<9216xi32, #tpu.memory_space<hbm>> -> memref<96xi32, #tpu.memory_space<hbm>>
      %dma_wait3A_38 = tpu.memref_slice %arg3[%mul3A_6] : memref<9216xi32, #tpu.memory_space<hbm>> -> memref<96xi32, #tpu.memory_space<hbm>>
      tpu.wait_dma2 semaphore(%run_scoped3A : memref<!tpu.dma_semaphore, #tpu.memory_space<semaphore_mem>>) src(%dma_wait3A_38 : memref<96xi32, #tpu.memory_space<hbm>>) dst(%arg5 : memref<96xi32, #tpu.memory_space<vmem>>)
      tpu.yield
    }) : () -> ()
    %dma_start3A = arith.constant 0 : i32
    %dma_start3A_7 = arith.constant 0 : i32
    %dma_start3A_8 = tpu.memref_slice %arg2[%dma_start3A, %dma_start3A_7] : memref<8192x256xf32, #tpu.memory_space<hbm>> -> memref<8192x256xf32, #tpu.memory_space<hbm>>
    tpu.enqueue_indirect_dma source(%dma_start3A_8 : memref<8192x256xf32, #tpu.memory_space<hbm>>) target(%arg6 : memref<96x256xf32, #tpu.memory_space<vmem>>) offsets(%arg5 : memref<96xi32, #tpu.memory_space<vmem>>) semaphore(%arg7 : memref<!tpu.dma_semaphore, #tpu.memory_space<semaphore_mem>>)
    %dma_wait3A = arith.constant 0 : i32
    %dma_wait3A_9 = arith.constant 0 : i32
    %dma_wait3A_10 = tpu.memref_slice %arg2[%dma_wait3A, %dma_wait3A_9] : memref<8192x256xf32, #tpu.memory_space<hbm>> -> memref<8192x256xf32, #tpu.memory_space<hbm>>
    tpu.wait_indirect_dma semaphore(%arg7 : memref<!tpu.dma_semaphore, #tpu.memory_space<semaphore_mem>>) src(%dma_wait3A_10 : memref<8192x256xf32, #tpu.memory_space<hbm>>) dst(%arg6 : memref<96x256xf32, #tpu.memory_space<vmem>>)
    "tpu.region"() ({
      %run_scoped3A = tpu.sem_alloc : memref<!tpu.dma_semaphore, #tpu.memory_space<semaphore_mem>>
      %dma_start3A_35 = arith.constant 0 : i32
      %dma_start3A_36 = tpu.memref_slice %arg4[%mul3A_6, %dma_start3A_35] : memref<9216x256xf32, #tpu.memory_space<hbm>> -> memref<96x256xf32, #tpu.memory_space<hbm>>
      %dma_start3A_37 = arith.constant 0 : i32
      %dma_start3A_38 = tpu.memref_slice %arg4[%mul3A_6, %dma_start3A_37] : memref<9216x256xf32, #tpu.memory_space<hbm>> -> memref<96x256xf32, #tpu.memory_space<hbm>>
      tpu.enqueue_dma source(%arg6 : memref<96x256xf32, #tpu.memory_space<vmem>>) target(%dma_start3A_38 : memref<96x256xf32, #tpu.memory_space<hbm>>) target_semaphore(%run_scoped3A : memref<!tpu.dma_semaphore, #tpu.memory_space<semaphore_mem>>)
      %dma_wait3A_39 = arith.constant 0 : i32
      %dma_wait3A_40 = tpu.memref_slice %arg4[%mul3A_6, %dma_wait3A_39] : memref<9216x256xf32, #tpu.memory_space<hbm>> -> memref<96x256xf32, #tpu.memory_space<hbm>>
      %dma_wait3A_41 = arith.constant 0 : i32
      %dma_wait3A_42 = tpu.memref_slice %arg4[%mul3A_6, %dma_wait3A_41] : memref<9216x256xf32, #tpu.memory_space<hbm>> -> memref<96x256xf32, #tpu.memory_space<hbm>>
      tpu.wait_dma2 semaphore(%run_scoped3A : memref<!tpu.dma_semaphore, #tpu.memory_space<semaphore_mem>>) src(%arg6 : memref<96x256xf32, #tpu.memory_space<vmem>>) dst(%dma_wait3A_42 : memref<96x256xf32, #tpu.memory_space<hbm>>)
      tpu.yield
    }) : () -> ()
    %mul3A_11 = arith.constant 3 : i32
    %mul3A_12 = arith.muli %add3A, %mul3A_11 : i32
    %add3A_13 = arith.constant 1 : i32
    %add3A_14 = arith.addi %mul3A_12, %add3A_13 : i32
    %mul3A_15 = arith.constant 96 : i32
    %mul3A_16 = arith.muli %add3A_14, %mul3A_15 : i32
    "tpu.region"() ({
      %run_scoped3A = tpu.sem_alloc : memref<!tpu.dma_semaphore, #tpu.memory_space<semaphore_mem>>
      %dma_start3A_35 = tpu.memref_slice %arg3[%mul3A_16] : memref<9216xi32, #tpu.memory_space<hbm>> -> memref<96xi32, #tpu.memory_space<hbm>>
      %dma_start3A_36 = tpu.memref_slice %arg3[%mul3A_16] : memref<9216xi32, #tpu.memory_space<hbm>> -> memref<96xi32, #tpu.memory_space<hbm>>
      tpu.enqueue_dma source(%dma_start3A_36 : memref<96xi32, #tpu.memory_space<hbm>>) target(%arg5 : memref<96xi32, #tpu.memory_space<vmem>>) target_semaphore(%run_scoped3A : memref<!tpu.dma_semaphore, #tpu.memory_space<semaphore_mem>>)
      %dma_wait3A_37 = tpu.memref_slice %arg3[%mul3A_16] : memref<9216xi32, #tpu.memory_space<hbm>> -> memref<96xi32, #tpu.memory_space<hbm>>
      %dma_wait3A_38 = tpu.memref_slice %arg3[%mul3A_16] : memref<9216xi32, #tpu.memory_space<hbm>> -> memref<96xi32, #tpu.memory_space<hbm>>
      tpu.wait_dma2 semaphore(%run_scoped3A : memref<!tpu.dma_semaphore, #tpu.memory_space<semaphore_mem>>) src(%dma_wait3A_38 : memref<96xi32, #tpu.memory_space<hbm>>) dst(%arg5 : memref<96xi32, #tpu.memory_space<vmem>>)
      tpu.yield
    }) : () -> ()
    %dma_start3A_17 = arith.constant 0 : i32
    %dma_start3A_18 = arith.constant 0 : i32
    %dma_start3A_19 = tpu.memref_slice %arg2[%dma_start3A_17, %dma_start3A_18] : memref<8192x256xf32, #tpu.memory_space<hbm>> -> memref<8192x256xf32, #tpu.memory_space<hbm>>
    tpu.enqueue_indirect_dma source(%dma_start3A_19 : memref<8192x256xf32, #tpu.memory_space<hbm>>) target(%arg6 : memref<96x256xf32, #tpu.memory_space<vmem>>) offsets(%arg5 : memref<96xi32, #tpu.memory_space<vmem>>) semaphore(%arg7 : memref<!tpu.dma_semaphore, #tpu.memory_space<semaphore_mem>>)
    %dma_wait3A_20 = arith.constant 0 : i32
    %dma_wait3A_21 = arith.constant 0 : i32
    %dma_wait3A_22 = tpu.memref_slice %arg2[%dma_wait3A_20, %dma_wait3A_21] : memref<8192x256xf32, #tpu.memory_space<hbm>> -> memref<8192x256xf32, #tpu.memory_space<hbm>>
    tpu.wait_indirect_dma semaphore(%arg7 : memref<!tpu.dma_semaphore, #tpu.memory_space<semaphore_mem>>) src(%dma_wait3A_22 : memref<8192x256xf32, #tpu.memory_space<hbm>>) dst(%arg6 : memref<96x256xf32, #tpu.memory_space<vmem>>)
    "tpu.region"() ({
      %run_scoped3A = tpu.sem_alloc : memref<!tpu.dma_semaphore, #tpu.memory_space<semaphore_mem>>
      %dma_start3A_35 = arith.constant 0 : i32
      %dma_start3A_36 = tpu.memref_slice %arg4[%mul3A_16, %dma_start3A_35] : memref<9216x256xf32, #tpu.memory_space<hbm>> -> memref<96x256xf32, #tpu.memory_space<hbm>>
      %dma_start3A_37 = arith.constant 0 : i32
      %dma_start3A_38 = tpu.memref_slice %arg4[%mul3A_16, %dma_start3A_37] : memref<9216x256xf32, #tpu.memory_space<hbm>> -> memref<96x256xf32, #tpu.memory_space<hbm>>
      tpu.enqueue_dma source(%arg6 : memref<96x256xf32, #tpu.memory_space<vmem>>) target(%dma_start3A_38 : memref<96x256xf32, #tpu.memory_space<hbm>>) target_semaphore(%run_scoped3A : memref<!tpu.dma_semaphore, #tpu.memory_space<semaphore_mem>>)
      %dma_wait3A_39 = arith.constant 0 : i32
      %dma_wait3A_40 = tpu.memref_slice %arg4[%mul3A_16, %dma_wait3A_39] : memref<9216x256xf32, #tpu.memory_space<hbm>> -> memref<96x256xf32, #tpu.memory_space<hbm>>
      %dma_wait3A_41 = arith.constant 0 : i32
      %dma_wait3A_42 = tpu.memref_slice %arg4[%mul3A_16, %dma_wait3A_41] : memref<9216x256xf32, #tpu.memory_space<hbm>> -> memref<96x256xf32, #tpu.memory_space<hbm>>
      tpu.wait_dma2 semaphore(%run_scoped3A : memref<!tpu.dma_semaphore, #tpu.memory_space<semaphore_mem>>) src(%arg6 : memref<96x256xf32, #tpu.memory_space<vmem>>) dst(%dma_wait3A_42 : memref<96x256xf32, #tpu.memory_space<hbm>>)
      tpu.yield
    }) : () -> ()
    %mul3A_23 = arith.constant 3 : i32
    %mul3A_24 = arith.muli %add3A, %mul3A_23 : i32
    %add3A_25 = arith.constant 2 : i32
    %add3A_26 = arith.addi %mul3A_24, %add3A_25 : i32
    %mul3A_27 = arith.constant 96 : i32
    %mul3A_28 = arith.muli %add3A_26, %mul3A_27 : i32
    "tpu.region"() ({
      %run_scoped3A = tpu.sem_alloc : memref<!tpu.dma_semaphore, #tpu.memory_space<semaphore_mem>>
      %dma_start3A_35 = tpu.memref_slice %arg3[%mul3A_28] : memref<9216xi32, #tpu.memory_space<hbm>> -> memref<96xi32, #tpu.memory_space<hbm>>
      %dma_start3A_36 = tpu.memref_slice %arg3[%mul3A_28] : memref<9216xi32, #tpu.memory_space<hbm>> -> memref<96xi32, #tpu.memory_space<hbm>>
      tpu.enqueue_dma source(%dma_start3A_36 : memref<96xi32, #tpu.memory_space<hbm>>) target(%arg5 : memref<96xi32, #tpu.memory_space<vmem>>) target_semaphore(%run_scoped3A : memref<!tpu.dma_semaphore, #tpu.memory_space<semaphore_mem>>)
      %dma_wait3A_37 = tpu.memref_slice %arg3[%mul3A_28] : memref<9216xi32, #tpu.memory_space<hbm>> -> memref<96xi32, #tpu.memory_space<hbm>>
      %dma_wait3A_38 = tpu.memref_slice %arg3[%mul3A_28] : memref<9216xi32, #tpu.memory_space<hbm>> -> memref<96xi32, #tpu.memory_space<hbm>>
      tpu.wait_dma2 semaphore(%run_scoped3A : memref<!tpu.dma_semaphore, #tpu.memory_space<semaphore_mem>>) src(%dma_wait3A_38 : memref<96xi32, #tpu.memory_space<hbm>>) dst(%arg5 : memref<96xi32, #tpu.memory_space<vmem>>)
      tpu.yield
    }) : () -> ()
    %dma_start3A_29 = arith.constant 0 : i32
    %dma_start3A_30 = arith.constant 0 : i32
    %dma_start3A_31 = tpu.memref_slice %arg2[%dma_start3A_29, %dma_start3A_30] : memref<8192x256xf32, #tpu.memory_space<hbm>> -> memref<8192x256xf32, #tpu.memory_space<hbm>>
    tpu.enqueue_indirect_dma source(%dma_start3A_31 : memref<8192x256xf32, #tpu.memory_space<hbm>>) target(%arg6 : memref<96x256xf32, #tpu.memory_space<vmem>>) offsets(%arg5 : memref<96xi32, #tpu.memory_space<vmem>>) semaphore(%arg7 : memref<!tpu.dma_semaphore, #tpu.memory_space<semaphore_mem>>)
    %dma_wait3A_32 = arith.constant 0 : i32
    %dma_wait3A_33 = arith.constant 0 : i32
    %dma_wait3A_34 = tpu.memref_slice %arg2[%dma_wait3A_32, %dma_wait3A_33] : memref<8192x256xf32, #tpu.memory_space<hbm>> -> memref<8192x256xf32, #tpu.memory_space<hbm>>
    tpu.wait_indirect_dma semaphore(%arg7 : memref<!tpu.dma_semaphore, #tpu.memory_space<semaphore_mem>>) src(%dma_wait3A_34 : memref<8192x256xf32, #tpu.memory_space<hbm>>) dst(%arg6 : memref<96x256xf32, #tpu.memory_space<vmem>>)
    "tpu.region"() ({
      %run_scoped3A = tpu.sem_alloc : memref<!tpu.dma_semaphore, #tpu.memory_space<semaphore_mem>>
      %dma_start3A_35 = arith.constant 0 : i32
      %dma_start3A_36 = tpu.memref_slice %arg4[%mul3A_28, %dma_start3A_35] : memref<9216x256xf32, #tpu.memory_space<hbm>> -> memref<96x256xf32, #tpu.memory_space<hbm>>
      %dma_start3A_37 = arith.constant 0 : i32
      %dma_start3A_38 = tpu.memref_slice %arg4[%mul3A_28, %dma_start3A_37] : memref<9216x256xf32, #tpu.memory_space<hbm>> -> memref<96x256xf32, #tpu.memory_space<hbm>>
      tpu.enqueue_dma source(%arg6 : memref<96x256xf32, #tpu.memory_space<vmem>>) target(%dma_start3A_38 : memref<96x256xf32, #tpu.memory_space<hbm>>) target_semaphore(%run_scoped3A : memref<!tpu.dma_semaphore, #tpu.memory_space<semaphore_mem>>)
      %dma_wait3A_39 = arith.constant 0 : i32
      %dma_wait3A_40 = tpu.memref_slice %arg4[%mul3A_28, %dma_wait3A_39] : memref<9216x256xf32, #tpu.memory_space<hbm>> -> memref<96x256xf32, #tpu.memory_space<hbm>>
      %dma_wait3A_41 = arith.constant 0 : i32
      %dma_wait3A_42 = tpu.memref_slice %arg4[%mul3A_28, %dma_wait3A_41] : memref<9216x256xf32, #tpu.memory_space<hbm>> -> memref<96x256xf32, #tpu.memory_space<hbm>>
      tpu.wait_dma2 semaphore(%run_scoped3A : memref<!tpu.dma_semaphore, #tpu.memory_space<semaphore_mem>>) src(%arg6 : memref<96x256xf32, #tpu.memory_space<vmem>>) dst(%dma_wait3A_42 : memref<96x256xf32, #tpu.memory_space<hbm>>)
      tpu.yield
    }) : () -> ()
    return
  }
}

module attributes {stable_mosaic.version = 14 : i64} {
  func.func @_argmax_body(%arg0: i32, %arg1: memref<1152x256xf32, #tpu.memory_space<vmem>>, %arg2: memref<8192x256xf32, #tpu.memory_space<vmem>>, %arg3: memref<1152x1xi32, #tpu.memory_space<vmem>>, %arg4: memref<8192x256xf32, #tpu.memory_space<vmem>>) attributes {dimension_semantics = [#tpu.dimension_semantics<arbitrary>], iteration_bounds = array<i64: 8>, scalar_prefetch = 0 : i64, scratch_operands = 1 : i64, tpu.core_type = #tpu.core_type<tc>, window_params = [{transform_indices = @transform_0, window_bounds = array<i64: 1152, 256>}, {pipeline_mode = #tpu.pipeline_mode<synchronous>, transform_indices = @transform_1, window_bounds = array<i64: 8192, 256>}, {transform_indices = @transform_2, window_bounds = array<i64: 1152, 1>}]} {
    %eq3A = arith.constant 0 : i32
    %eq3A_0 = arith.cmpi eq, %arg0, %eq3A : i32
    %convert_element_type3A = arith.extui %eq3A_0 : i1 to i32
    %cond3A = arith.constant 0 : i32
    %cond3A_1 = arith.cmpi ne, %convert_element_type3A, %cond3A : i32
    scf.if %cond3A_1 {
      %get3A_391 = arith.constant 0 : index
      %get3A_392 = arith.constant 0 : index
      %get3A_393 = vector.load %arg2[%get3A_391, %get3A_392] : memref<8192x256xf32, #tpu.memory_space<vmem>>, vector<8192x256xf32>
      %mul3A_394 = arith.mulf %get3A_393, %get3A_393 : vector<8192x256xf32>
      %reduce_sum3A_395 = arith.constant dense<0.000000e+00> : vector<8192xf32>
      %reduce_sum3A_396 = vector.multi_reduction <add>, %mul3A_394, %reduce_sum3A_395 [1] : vector<8192x256xf32> to vector<8192xf32>
      %broadcast_in_dim3A_397 = vector.shape_cast %reduce_sum3A_396 : vector<8192xf32> to vector<8192x1xf32>
      %sqrt3A_398 = math.sqrt %broadcast_in_dim3A_397 : vector<8192x1xf32>
      %max3A_399 = arith.constant 9.99999996E-13 : f32
      %max3A_400 = vector.broadcast %max3A_399 : f32 to vector<8192x1xf32>
      %max3A_401 = arith.maximumf %sqrt3A_398, %max3A_400 : vector<8192x1xf32>
      %div3A_402 = vector.broadcast %max3A_401 : vector<8192x1xf32> to vector<8192x256xf32>
      %div3A_403 = arith.divf %get3A_393, %div3A_402 : vector<8192x256xf32>
      %swap3A_404 = arith.constant 0 : index
      %swap3A_405 = arith.constant 0 : index
      %swap3A_406 = vector.load %arg4[%swap3A_404, %swap3A_405] : memref<8192x256xf32, #tpu.memory_space<vmem>>, vector<8192x256xf32>
      tpu.vector_store %arg4[%swap3A_404, %swap3A_405], %div3A_403 {strides = array<i32>} : memref<8192x256xf32, #tpu.memory_space<vmem>>, vector<8192x256xf32>,
    } else {
    }
    %get3A = arith.constant 0 : index
    %get3A_2 = arith.constant 0 : index
    %get3A_3 = vector.load %arg1[%get3A, %get3A_2] : memref<1152x256xf32, #tpu.memory_space<vmem>>, vector<1152x256xf32>
    %mul3A = arith.mulf %get3A_3, %get3A_3 : vector<1152x256xf32>
    %reduce_sum3A = arith.constant dense<0.000000e+00> : vector<1152xf32>
    %reduce_sum3A_4 = vector.multi_reduction <add>, %mul3A, %reduce_sum3A [1] : vector<1152x256xf32> to vector<1152xf32>
    %broadcast_in_dim3A = vector.shape_cast %reduce_sum3A_4 : vector<1152xf32> to vector<1152x1xf32>
    %sqrt3A = math.sqrt %broadcast_in_dim3A : vector<1152x1xf32>
    %max3A = arith.constant 9.99999996E-13 : f32
    %max3A_5 = vector.broadcast %max3A : f32 to vector<1152x1xf32>
    %max3A_6 = arith.maximumf %sqrt3A, %max3A_5 : vector<1152x1xf32>
    %div3A = vector.broadcast %max3A_6 : vector<1152x1xf32> to vector<1152x256xf32>
    %div3A_7 = arith.divf %get3A_3, %div3A : vector<1152x256xf32>
    %iota3A = tpu.iota {dimensions = array<i32: 1>} : vector<1x512xi32>
    %convert_element_type3A_8 = arith.sitofp %iota3A : vector<1x512xi32> to vector<1x512xf32>
    %broadcast_in_dim3A_9 = arith.constant 0xFF800000 : f32
    %broadcast_in_dim3A_10 = vector.broadcast %broadcast_in_dim3A_9 : f32 to vector<1152x1xf32>
    %broadcast_in_dim3A_11 = arith.constant 0.000000e+00 : f32
    %broadcast_in_dim3A_12 = vector.broadcast %broadcast_in_dim3A_11 : f32 to vector<1152x1xf32>
    %get3A_13 = arith.constant 0 : index
    %get3A_14 = arith.constant 0 : index
    %get3A_15 = vector.load %arg4[%get3A_13, %get3A_14] : memref<8192x256xf32, #tpu.memory_space<vmem>>, vector<512x256xf32>
    %dot_general3A = arith.constant dense<0.000000e+00> : vector<1152x512xf32>
    %dot_general3A_16 = tpu.matmul %div3A_7, %get3A_15, %dot_general3A {dimension_numbers = #tpu.dot_dimension_numbers<[1], [1], [0], [0], [0, 0, 1, 0], [], []>, transpose_lhs_hint = false} : vector<1152x256xf32>, vector<512x256xf32>, vector<1152x512xf32> -> vector<1152x512xf32>
    %reduce_max3A = arith.constant dense<0xFF800000> : vector<1152xf32>
    %reduce_max3A_17 = vector.multi_reduction <maximumf>, %dot_general3A_16, %reduce_max3A [1] : vector<1152x512xf32> to vector<1152xf32>
    %broadcast_in_dim3A_18 = vector.shape_cast %reduce_max3A_17 : vector<1152xf32> to vector<1152x1xf32>
    %ge3A = vector.broadcast %broadcast_in_dim3A_18 : vector<1152x1xf32> to vector<1152x512xf32>
    %ge3A_19 = arith.cmpf oge, %dot_general3A_16, %ge3A : vector<1152x512xf32>
    %jit3A = arith.constant 8.192000e+03 : f32
    %broadcast_in_dim3A_20 = vector.shape_cast %convert_element_type3A_8 : vector<1x512xf32> to vector<1x512xf32>
    %broadcast_in_dim3A_21 = vector.broadcast %broadcast_in_dim3A_20 : vector<1x512xf32> to vector<1152x512xf32>
    %broadcast_in_dim3A_22 = vector.broadcast %jit3A : f32 to vector<1152x512xf32>
    %select_n3A = arith.select %ge3A_19, %broadcast_in_dim3A_21, %broadcast_in_dim3A_22 : vector<1152x512xi1>, vector<1152x512xf32>
    %reduce_min3A = arith.constant dense<0x7F800000> : vector<1152xf32>
    %reduce_min3A_23 = vector.multi_reduction <minimumf>, %select_n3A, %reduce_min3A [1] : vector<1152x512xf32> to vector<1152xf32>
    %broadcast_in_dim3A_24 = vector.shape_cast %reduce_min3A_23 : vector<1152xf32> to vector<1152x1xf32>
    %gt3A = arith.cmpf ogt, %broadcast_in_dim3A_18, %broadcast_in_dim3A_10 : vector<1152x1xf32>
    %add3A = arith.constant 0.000000e+00 : f32
    %add3A_25 = vector.broadcast %add3A : f32 to vector<1152x1xf32>
    %add3A_26 = arith.addf %broadcast_in_dim3A_24, %add3A_25 : vector<1152x1xf32>
    %select_n3A_27 = arith.select %gt3A, %add3A_26, %broadcast_in_dim3A_12 : vector<1152x1xi1>, vector<1152x1xf32>
    %select_n3A_28 = arith.select %gt3A, %broadcast_in_dim3A_18, %broadcast_in_dim3A_10 : vector<1152x1xi1>, vector<1152x1xf32>
    %get3A_29 = arith.constant 512 : index
    %get3A_30 = arith.constant 0 : index
    %get3A_31 = vector.load %arg4[%get3A_29, %get3A_30] : memref<8192x256xf32, #tpu.memory_space<vmem>>, vector<512x256xf32>
    %dot_general3A_32 = arith.constant dense<0.000000e+00> : vector<1152x512xf32>
    %dot_general3A_33 = tpu.matmul %div3A_7, %get3A_31, %dot_general3A_32 {dimension_numbers = #tpu.dot_dimension_numbers<[1], [1], [0], [0], [0, 0, 1, 0], [], []>, transpose_lhs_hint = false} : vector<1152x256xf32>, vector<512x256xf32>, vector<1152x512xf32> -> vector<1152x512xf32>
    %reduce_max3A_34 = arith.constant dense<0xFF800000> : vector<1152xf32>
    %reduce_max3A_35 = vector.multi_reduction <maximumf>, %dot_general3A_33, %reduce_max3A_34 [1] : vector<1152x512xf32> to vector<1152xf32>
    %broadcast_in_dim3A_36 = vector.shape_cast %reduce_max3A_35 : vector<1152xf32> to vector<1152x1xf32>
    %ge3A_37 = vector.broadcast %broadcast_in_dim3A_36 : vector<1152x1xf32> to vector<1152x512xf32>
    %ge3A_38 = arith.cmpf oge, %dot_general3A_33, %ge3A_37 : vector<1152x512xf32>
    %jit3A_39 = arith.constant 8.192000e+03 : f32
    %broadcast_in_dim3A_40 = vector.shape_cast %convert_element_type3A_8 : vector<1x512xf32> to vector<1x512xf32>
    %broadcast_in_dim3A_41 = vector.broadcast %broadcast_in_dim3A_40 : vector<1x512xf32> to vector<1152x512xf32>
    %broadcast_in_dim3A_42 = vector.broadcast %jit3A_39 : f32 to vector<1152x512xf32>
    %select_n3A_43 = arith.select %ge3A_38, %broadcast_in_dim3A_41, %broadcast_in_dim3A_42 : vector<1152x512xi1>, vector<1152x512xf32>
    %reduce_min3A_44 = arith.constant dense<0x7F800000> : vector<1152xf32>
    %reduce_min3A_45 = vector.multi_reduction <minimumf>, %select_n3A_43, %reduce_min3A_44 [1] : vector<1152x512xf32> to vector<1152xf32>
    %broadcast_in_dim3A_46 = vector.shape_cast %reduce_min3A_45 : vector<1152xf32> to vector<1152x1xf32>
    %gt3A_47 = arith.cmpf ogt, %broadcast_in_dim3A_36, %select_n3A_28 : vector<1152x1xf32>
    %add3A_48 = arith.constant 5.120000e+02 : f32
    %add3A_49 = vector.broadcast %add3A_48 : f32 to vector<1152x1xf32>
    %add3A_50 = arith.addf %broadcast_in_dim3A_46, %add3A_49 : vector<1152x1xf32>
    %select_n3A_51 = arith.select %gt3A_47, %add3A_50, %select_n3A_27 : vector<1152x1xi1>, vector<1152x1xf32>
    %select_n3A_52 = arith.select %gt3A_47, %broadcast_in_dim3A_36, %select_n3A_28 : vector<1152x1xi1>, vector<1152x1xf32>
    %get3A_53 = arith.constant 1024 : index
    %get3A_54 = arith.constant 0 : index
    %get3A_55 = vector.load %arg4[%get3A_53, %get3A_54] : memref<8192x256xf32, #tpu.memory_space<vmem>>, vector<512x256xf32>
    %dot_general3A_56 = arith.constant dense<0.000000e+00> : vector<1152x512xf32>
    %dot_general3A_57 = tpu.matmul %div3A_7, %get3A_55, %dot_general3A_56 {dimension_numbers = #tpu.dot_dimension_numbers<[1], [1], [0], [0], [0, 0, 1, 0], [], []>, transpose_lhs_hint = false} : vector<1152x256xf32>, vector<512x256xf32>, vector<1152x512xf32> -> vector<1152x512xf32>
    %reduce_max3A_58 = arith.constant dense<0xFF800000> : vector<1152xf32>
    %reduce_max3A_59 = vector.multi_reduction <maximumf>, %dot_general3A_57, %reduce_max3A_58 [1] : vector<1152x512xf32> to vector<1152xf32>
    %broadcast_in_dim3A_60 = vector.shape_cast %reduce_max3A_59 : vector<1152xf32> to vector<1152x1xf32>
    %ge3A_61 = vector.broadcast %broadcast_in_dim3A_60 : vector<1152x1xf32> to vector<1152x512xf32>
    %ge3A_62 = arith.cmpf oge, %dot_general3A_57, %ge3A_61 : vector<1152x512xf32>
    %jit3A_63 = arith.constant 8.192000e+03 : f32
    %broadcast_in_dim3A_64 = vector.shape_cast %convert_element_type3A_8 : vector<1x512xf32> to vector<1x512xf32>
    %broadcast_in_dim3A_65 = vector.broadcast %broadcast_in_dim3A_64 : vector<1x512xf32> to vector<1152x512xf32>
    %broadcast_in_dim3A_66 = vector.broadcast %jit3A_63 : f32 to vector<1152x512xf32>
    %select_n3A_67 = arith.select %ge3A_62, %broadcast_in_dim3A_65, %broadcast_in_dim3A_66 : vector<1152x512xi1>, vector<1152x512xf32>
    %reduce_min3A_68 = arith.constant dense<0x7F800000> : vector<1152xf32>
    %reduce_min3A_69 = vector.multi_reduction <minimumf>, %select_n3A_67, %reduce_min3A_68 [1] : vector<1152x512xf32> to vector<1152xf32>
    %broadcast_in_dim3A_70 = vector.shape_cast %reduce_min3A_69 : vector<1152xf32> to vector<1152x1xf32>
    %gt3A_71 = arith.cmpf ogt, %broadcast_in_dim3A_60, %select_n3A_52 : vector<1152x1xf32>
    %add3A_72 = arith.constant 1.024000e+03 : f32
    %add3A_73 = vector.broadcast %add3A_72 : f32 to vector<1152x1xf32>
    %add3A_74 = arith.addf %broadcast_in_dim3A_70, %add3A_73 : vector<1152x1xf32>
    %select_n3A_75 = arith.select %gt3A_71, %add3A_74, %select_n3A_51 : vector<1152x1xi1>, vector<1152x1xf32>
    %select_n3A_76 = arith.select %gt3A_71, %broadcast_in_dim3A_60, %select_n3A_52 : vector<1152x1xi1>, vector<1152x1xf32>
    %get3A_77 = arith.constant 1536 : index
    %get3A_78 = arith.constant 0 : index
    %get3A_79 = vector.load %arg4[%get3A_77, %get3A_78] : memref<8192x256xf32, #tpu.memory_space<vmem>>, vector<512x256xf32>
    %dot_general3A_80 = arith.constant dense<0.000000e+00> : vector<1152x512xf32>
    %dot_general3A_81 = tpu.matmul %div3A_7, %get3A_79, %dot_general3A_80 {dimension_numbers = #tpu.dot_dimension_numbers<[1], [1], [0], [0], [0, 0, 1, 0], [], []>, transpose_lhs_hint = false} : vector<1152x256xf32>, vector<512x256xf32>, vector<1152x512xf32> -> vector<1152x512xf32>
    %reduce_max3A_82 = arith.constant dense<0xFF800000> : vector<1152xf32>
    %reduce_max3A_83 = vector.multi_reduction <maximumf>, %dot_general3A_81, %reduce_max3A_82 [1] : vector<1152x512xf32> to vector<1152xf32>
    %broadcast_in_dim3A_84 = vector.shape_cast %reduce_max3A_83 : vector<1152xf32> to vector<1152x1xf32>
    %ge3A_85 = vector.broadcast %broadcast_in_dim3A_84 : vector<1152x1xf32> to vector<1152x512xf32>
    %ge3A_86 = arith.cmpf oge, %dot_general3A_81, %ge3A_85 : vector<1152x512xf32>
    %jit3A_87 = arith.constant 8.192000e+03 : f32
    %broadcast_in_dim3A_88 = vector.shape_cast %convert_element_type3A_8 : vector<1x512xf32> to vector<1x512xf32>
    %broadcast_in_dim3A_89 = vector.broadcast %broadcast_in_dim3A_88 : vector<1x512xf32> to vector<1152x512xf32>
    %broadcast_in_dim3A_90 = vector.broadcast %jit3A_87 : f32 to vector<1152x512xf32>
    %select_n3A_91 = arith.select %ge3A_86, %broadcast_in_dim3A_89, %broadcast_in_dim3A_90 : vector<1152x512xi1>, vector<1152x512xf32>
    %reduce_min3A_92 = arith.constant dense<0x7F800000> : vector<1152xf32>
    %reduce_min3A_93 = vector.multi_reduction <minimumf>, %select_n3A_91, %reduce_min3A_92 [1] : vector<1152x512xf32> to vector<1152xf32>
    %broadcast_in_dim3A_94 = vector.shape_cast %reduce_min3A_93 : vector<1152xf32> to vector<1152x1xf32>
    %gt3A_95 = arith.cmpf ogt, %broadcast_in_dim3A_84, %select_n3A_76 : vector<1152x1xf32>
    %add3A_96 = arith.constant 1.536000e+03 : f32
    %add3A_97 = vector.broadcast %add3A_96 : f32 to vector<1152x1xf32>
    %add3A_98 = arith.addf %broadcast_in_dim3A_94, %add3A_97 : vector<1152x1xf32>
    %select_n3A_99 = arith.select %gt3A_95, %add3A_98, %select_n3A_75 : vector<1152x1xi1>, vector<1152x1xf32>
    %select_n3A_100 = arith.select %gt3A_95, %broadcast_in_dim3A_84, %select_n3A_76 : vector<1152x1xi1>, vector<1152x1xf32>
    %get3A_101 = arith.constant 2048 : index
    %get3A_102 = arith.constant 0 : index
    %get3A_103 = vector.load %arg4[%get3A_101, %get3A_102] : memref<8192x256xf32, #tpu.memory_space<vmem>>, vector<512x256xf32>
    %dot_general3A_104 = arith.constant dense<0.000000e+00> : vector<1152x512xf32>
    %dot_general3A_105 = tpu.matmul %div3A_7, %get3A_103, %dot_general3A_104 {dimension_numbers = #tpu.dot_dimension_numbers<[1], [1], [0], [0], [0, 0, 1, 0], [], []>, transpose_lhs_hint = false} : vector<1152x256xf32>, vector<512x256xf32>, vector<1152x512xf32> -> vector<1152x512xf32>
    %reduce_max3A_106 = arith.constant dense<0xFF800000> : vector<1152xf32>
    %reduce_max3A_107 = vector.multi_reduction <maximumf>, %dot_general3A_105, %reduce_max3A_106 [1] : vector<1152x512xf32> to vector<1152xf32>
    %broadcast_in_dim3A_108 = vector.shape_cast %reduce_max3A_107 : vector<1152xf32> to vector<1152x1xf32>
    %ge3A_109 = vector.broadcast %broadcast_in_dim3A_108 : vector<1152x1xf32> to vector<1152x512xf32>
    %ge3A_110 = arith.cmpf oge, %dot_general3A_105, %ge3A_109 : vector<1152x512xf32>
    %jit3A_111 = arith.constant 8.192000e+03 : f32
    %broadcast_in_dim3A_112 = vector.shape_cast %convert_element_type3A_8 : vector<1x512xf32> to vector<1x512xf32>
    %broadcast_in_dim3A_113 = vector.broadcast %broadcast_in_dim3A_112 : vector<1x512xf32> to vector<1152x512xf32>
    %broadcast_in_dim3A_114 = vector.broadcast %jit3A_111 : f32 to vector<1152x512xf32>
    %select_n3A_115 = arith.select %ge3A_110, %broadcast_in_dim3A_113, %broadcast_in_dim3A_114 : vector<1152x512xi1>, vector<1152x512xf32>
    %reduce_min3A_116 = arith.constant dense<0x7F800000> : vector<1152xf32>
    %reduce_min3A_117 = vector.multi_reduction <minimumf>, %select_n3A_115, %reduce_min3A_116 [1] : vector<1152x512xf32> to vector<1152xf32>
    %broadcast_in_dim3A_118 = vector.shape_cast %reduce_min3A_117 : vector<1152xf32> to vector<1152x1xf32>
    %gt3A_119 = arith.cmpf ogt, %broadcast_in_dim3A_108, %select_n3A_100 : vector<1152x1xf32>
    %add3A_120 = arith.constant 2.048000e+03 : f32
    %add3A_121 = vector.broadcast %add3A_120 : f32 to vector<1152x1xf32>
    %add3A_122 = arith.addf %broadcast_in_dim3A_118, %add3A_121 : vector<1152x1xf32>
    %select_n3A_123 = arith.select %gt3A_119, %add3A_122, %select_n3A_99 : vector<1152x1xi1>, vector<1152x1xf32>
    %select_n3A_124 = arith.select %gt3A_119, %broadcast_in_dim3A_108, %select_n3A_100 : vector<1152x1xi1>, vector<1152x1xf32>
    %get3A_125 = arith.constant 2560 : index
    %get3A_126 = arith.constant 0 : index
    %get3A_127 = vector.load %arg4[%get3A_125, %get3A_126] : memref<8192x256xf32, #tpu.memory_space<vmem>>, vector<512x256xf32>
    %dot_general3A_128 = arith.constant dense<0.000000e+00> : vector<1152x512xf32>
    %dot_general3A_129 = tpu.matmul %div3A_7, %get3A_127, %dot_general3A_128 {dimension_numbers = #tpu.dot_dimension_numbers<[1], [1], [0], [0], [0, 0, 1, 0], [], []>, transpose_lhs_hint = false} : vector<1152x256xf32>, vector<512x256xf32>, vector<1152x512xf32> -> vector<1152x512xf32>
    %reduce_max3A_130 = arith.constant dense<0xFF800000> : vector<1152xf32>
    %reduce_max3A_131 = vector.multi_reduction <maximumf>, %dot_general3A_129, %reduce_max3A_130 [1] : vector<1152x512xf32> to vector<1152xf32>
    %broadcast_in_dim3A_132 = vector.shape_cast %reduce_max3A_131 : vector<1152xf32> to vector<1152x1xf32>
    %ge3A_133 = vector.broadcast %broadcast_in_dim3A_132 : vector<1152x1xf32> to vector<1152x512xf32>
    %ge3A_134 = arith.cmpf oge, %dot_general3A_129, %ge3A_133 : vector<1152x512xf32>
    %jit3A_135 = arith.constant 8.192000e+03 : f32
    %broadcast_in_dim3A_136 = vector.shape_cast %convert_element_type3A_8 : vector<1x512xf32> to vector<1x512xf32>
    %broadcast_in_dim3A_137 = vector.broadcast %broadcast_in_dim3A_136 : vector<1x512xf32> to vector<1152x512xf32>
    %broadcast_in_dim3A_138 = vector.broadcast %jit3A_135 : f32 to vector<1152x512xf32>
    %select_n3A_139 = arith.select %ge3A_134, %broadcast_in_dim3A_137, %broadcast_in_dim3A_138 : vector<1152x512xi1>, vector<1152x512xf32>
    %reduce_min3A_140 = arith.constant dense<0x7F800000> : vector<1152xf32>
    %reduce_min3A_141 = vector.multi_reduction <minimumf>, %select_n3A_139, %reduce_min3A_140 [1] : vector<1152x512xf32> to vector<1152xf32>
    %broadcast_in_dim3A_142 = vector.shape_cast %reduce_min3A_141 : vector<1152xf32> to vector<1152x1xf32>
    %gt3A_143 = arith.cmpf ogt, %broadcast_in_dim3A_132, %select_n3A_124 : vector<1152x1xf32>
    %add3A_144 = arith.constant 2.560000e+03 : f32
    %add3A_145 = vector.broadcast %add3A_144 : f32 to vector<1152x1xf32>
    %add3A_146 = arith.addf %broadcast_in_dim3A_142, %add3A_145 : vector<1152x1xf32>
    %select_n3A_147 = arith.select %gt3A_143, %add3A_146, %select_n3A_123 : vector<1152x1xi1>, vector<1152x1xf32>
    %select_n3A_148 = arith.select %gt3A_143, %broadcast_in_dim3A_132, %select_n3A_124 : vector<1152x1xi1>, vector<1152x1xf32>
    %get3A_149 = arith.constant 3072 : index
    %get3A_150 = arith.constant 0 : index
    %get3A_151 = vector.load %arg4[%get3A_149, %get3A_150] : memref<8192x256xf32, #tpu.memory_space<vmem>>, vector<512x256xf32>
    %dot_general3A_152 = arith.constant dense<0.000000e+00> : vector<1152x512xf32>
    %dot_general3A_153 = tpu.matmul %div3A_7, %get3A_151, %dot_general3A_152 {dimension_numbers = #tpu.dot_dimension_numbers<[1], [1], [0], [0], [0, 0, 1, 0], [], []>, transpose_lhs_hint = false} : vector<1152x256xf32>, vector<512x256xf32>, vector<1152x512xf32> -> vector<1152x512xf32>
    %reduce_max3A_154 = arith.constant dense<0xFF800000> : vector<1152xf32>
    %reduce_max3A_155 = vector.multi_reduction <maximumf>, %dot_general3A_153, %reduce_max3A_154 [1] : vector<1152x512xf32> to vector<1152xf32>
    %broadcast_in_dim3A_156 = vector.shape_cast %reduce_max3A_155 : vector<1152xf32> to vector<1152x1xf32>
    %ge3A_157 = vector.broadcast %broadcast_in_dim3A_156 : vector<1152x1xf32> to vector<1152x512xf32>
    %ge3A_158 = arith.cmpf oge, %dot_general3A_153, %ge3A_157 : vector<1152x512xf32>
    %jit3A_159 = arith.constant 8.192000e+03 : f32
    %broadcast_in_dim3A_160 = vector.shape_cast %convert_element_type3A_8 : vector<1x512xf32> to vector<1x512xf32>
    %broadcast_in_dim3A_161 = vector.broadcast %broadcast_in_dim3A_160 : vector<1x512xf32> to vector<1152x512xf32>
    %broadcast_in_dim3A_162 = vector.broadcast %jit3A_159 : f32 to vector<1152x512xf32>
    %select_n3A_163 = arith.select %ge3A_158, %broadcast_in_dim3A_161, %broadcast_in_dim3A_162 : vector<1152x512xi1>, vector<1152x512xf32>
    %reduce_min3A_164 = arith.constant dense<0x7F800000> : vector<1152xf32>
    %reduce_min3A_165 = vector.multi_reduction <minimumf>, %select_n3A_163, %reduce_min3A_164 [1] : vector<1152x512xf32> to vector<1152xf32>
    %broadcast_in_dim3A_166 = vector.shape_cast %reduce_min3A_165 : vector<1152xf32> to vector<1152x1xf32>
    %gt3A_167 = arith.cmpf ogt, %broadcast_in_dim3A_156, %select_n3A_148 : vector<1152x1xf32>
    %add3A_168 = arith.constant 3.072000e+03 : f32
    %add3A_169 = vector.broadcast %add3A_168 : f32 to vector<1152x1xf32>
    %add3A_170 = arith.addf %broadcast_in_dim3A_166, %add3A_169 : vector<1152x1xf32>
    %select_n3A_171 = arith.select %gt3A_167, %add3A_170, %select_n3A_147 : vector<1152x1xi1>, vector<1152x1xf32>
    %select_n3A_172 = arith.select %gt3A_167, %broadcast_in_dim3A_156, %select_n3A_148 : vector<1152x1xi1>, vector<1152x1xf32>
    %get3A_173 = arith.constant 3584 : index
    %get3A_174 = arith.constant 0 : index
    %get3A_175 = vector.load %arg4[%get3A_173, %get3A_174] : memref<8192x256xf32, #tpu.memory_space<vmem>>, vector<512x256xf32>
    %dot_general3A_176 = arith.constant dense<0.000000e+00> : vector<1152x512xf32>
    %dot_general3A_177 = tpu.matmul %div3A_7, %get3A_175, %dot_general3A_176 {dimension_numbers = #tpu.dot_dimension_numbers<[1], [1], [0], [0], [0, 0, 1, 0], [], []>, transpose_lhs_hint = false} : vector<1152x256xf32>, vector<512x256xf32>, vector<1152x512xf32> -> vector<1152x512xf32>
    %reduce_max3A_178 = arith.constant dense<0xFF800000> : vector<1152xf32>
    %reduce_max3A_179 = vector.multi_reduction <maximumf>, %dot_general3A_177, %reduce_max3A_178 [1] : vector<1152x512xf32> to vector<1152xf32>
    %broadcast_in_dim3A_180 = vector.shape_cast %reduce_max3A_179 : vector<1152xf32> to vector<1152x1xf32>
    %ge3A_181 = vector.broadcast %broadcast_in_dim3A_180 : vector<1152x1xf32> to vector<1152x512xf32>
    %ge3A_182 = arith.cmpf oge, %dot_general3A_177, %ge3A_181 : vector<1152x512xf32>
    %jit3A_183 = arith.constant 8.192000e+03 : f32
    %broadcast_in_dim3A_184 = vector.shape_cast %convert_element_type3A_8 : vector<1x512xf32> to vector<1x512xf32>
    %broadcast_in_dim3A_185 = vector.broadcast %broadcast_in_dim3A_184 : vector<1x512xf32> to vector<1152x512xf32>
    %broadcast_in_dim3A_186 = vector.broadcast %jit3A_183 : f32 to vector<1152x512xf32>
    %select_n3A_187 = arith.select %ge3A_182, %broadcast_in_dim3A_185, %broadcast_in_dim3A_186 : vector<1152x512xi1>, vector<1152x512xf32>
    %reduce_min3A_188 = arith.constant dense<0x7F800000> : vector<1152xf32>
    %reduce_min3A_189 = vector.multi_reduction <minimumf>, %select_n3A_187, %reduce_min3A_188 [1] : vector<1152x512xf32> to vector<1152xf32>
    %broadcast_in_dim3A_190 = vector.shape_cast %reduce_min3A_189 : vector<1152xf32> to vector<1152x1xf32>
    %gt3A_191 = arith.cmpf ogt, %broadcast_in_dim3A_180, %select_n3A_172 : vector<1152x1xf32>
    %add3A_192 = arith.constant 3.584000e+03 : f32
    %add3A_193 = vector.broadcast %add3A_192 : f32 to vector<1152x1xf32>
    %add3A_194 = arith.addf %broadcast_in_dim3A_190, %add3A_193 : vector<1152x1xf32>
    %select_n3A_195 = arith.select %gt3A_191, %add3A_194, %select_n3A_171 : vector<1152x1xi1>, vector<1152x1xf32>
    %select_n3A_196 = arith.select %gt3A_191, %broadcast_in_dim3A_180, %select_n3A_172 : vector<1152x1xi1>, vector<1152x1xf32>
    %get3A_197 = arith.constant 4096 : index
    %get3A_198 = arith.constant 0 : index
    %get3A_199 = vector.load %arg4[%get3A_197, %get3A_198] : memref<8192x256xf32, #tpu.memory_space<vmem>>, vector<512x256xf32>
    %dot_general3A_200 = arith.constant dense<0.000000e+00> : vector<1152x512xf32>
    %dot_general3A_201 = tpu.matmul %div3A_7, %get3A_199, %dot_general3A_200 {dimension_numbers = #tpu.dot_dimension_numbers<[1], [1], [0], [0], [0, 0, 1, 0], [], []>, transpose_lhs_hint = false} : vector<1152x256xf32>, vector<512x256xf32>, vector<1152x512xf32> -> vector<1152x512xf32>
    %reduce_max3A_202 = arith.constant dense<0xFF800000> : vector<1152xf32>
    %reduce_max3A_203 = vector.multi_reduction <maximumf>, %dot_general3A_201, %reduce_max3A_202 [1] : vector<1152x512xf32> to vector<1152xf32>
    %broadcast_in_dim3A_204 = vector.shape_cast %reduce_max3A_203 : vector<1152xf32> to vector<1152x1xf32>
    %ge3A_205 = vector.broadcast %broadcast_in_dim3A_204 : vector<1152x1xf32> to vector<1152x512xf32>
    %ge3A_206 = arith.cmpf oge, %dot_general3A_201, %ge3A_205 : vector<1152x512xf32>
    %jit3A_207 = arith.constant 8.192000e+03 : f32
    %broadcast_in_dim3A_208 = vector.shape_cast %convert_element_type3A_8 : vector<1x512xf32> to vector<1x512xf32>
    %broadcast_in_dim3A_209 = vector.broadcast %broadcast_in_dim3A_208 : vector<1x512xf32> to vector<1152x512xf32>
    %broadcast_in_dim3A_210 = vector.broadcast %jit3A_207 : f32 to vector<1152x512xf32>
    %select_n3A_211 = arith.select %ge3A_206, %broadcast_in_dim3A_209, %broadcast_in_dim3A_210 : vector<1152x512xi1>, vector<1152x512xf32>
    %reduce_min3A_212 = arith.constant dense<0x7F800000> : vector<1152xf32>
    %reduce_min3A_213 = vector.multi_reduction <minimumf>, %select_n3A_211, %reduce_min3A_212 [1] : vector<1152x512xf32> to vector<1152xf32>
    %broadcast_in_dim3A_214 = vector.shape_cast %reduce_min3A_213 : vector<1152xf32> to vector<1152x1xf32>
    %gt3A_215 = arith.cmpf ogt, %broadcast_in_dim3A_204, %select_n3A_196 : vector<1152x1xf32>
    %add3A_216 = arith.constant 4.096000e+03 : f32
    %add3A_217 = vector.broadcast %add3A_216 : f32 to vector<1152x1xf32>
    %add3A_218 = arith.addf %broadcast_in_dim3A_214, %add3A_217 : vector<1152x1xf32>
    %select_n3A_219 = arith.select %gt3A_215, %add3A_218, %select_n3A_195 : vector<1152x1xi1>, vector<1152x1xf32>
    %select_n3A_220 = arith.select %gt3A_215, %broadcast_in_dim3A_204, %select_n3A_196 : vector<1152x1xi1>, vector<1152x1xf32>
    %get3A_221 = arith.constant 4608 : index
    %get3A_222 = arith.constant 0 : index
    %get3A_223 = vector.load %arg4[%get3A_221, %get3A_222] : memref<8192x256xf32, #tpu.memory_space<vmem>>, vector<512x256xf32>
    %dot_general3A_224 = arith.constant dense<0.000000e+00> : vector<1152x512xf32>
    %dot_general3A_225 = tpu.matmul %div3A_7, %get3A_223, %dot_general3A_224 {dimension_numbers = #tpu.dot_dimension_numbers<[1], [1], [0], [0], [0, 0, 1, 0], [], []>, transpose_lhs_hint = false} : vector<1152x256xf32>, vector<512x256xf32>, vector<1152x512xf32> -> vector<1152x512xf32>
    %reduce_max3A_226 = arith.constant dense<0xFF800000> : vector<1152xf32>
    %reduce_max3A_227 = vector.multi_reduction <maximumf>, %dot_general3A_225, %reduce_max3A_226 [1] : vector<1152x512xf32> to vector<1152xf32>
    %broadcast_in_dim3A_228 = vector.shape_cast %reduce_max3A_227 : vector<1152xf32> to vector<1152x1xf32>
    %ge3A_229 = vector.broadcast %broadcast_in_dim3A_228 : vector<1152x1xf32> to vector<1152x512xf32>
    %ge3A_230 = arith.cmpf oge, %dot_general3A_225, %ge3A_229 : vector<1152x512xf32>
    %jit3A_231 = arith.constant 8.192000e+03 : f32
    %broadcast_in_dim3A_232 = vector.shape_cast %convert_element_type3A_8 : vector<1x512xf32> to vector<1x512xf32>
    %broadcast_in_dim3A_233 = vector.broadcast %broadcast_in_dim3A_232 : vector<1x512xf32> to vector<1152x512xf32>
    %broadcast_in_dim3A_234 = vector.broadcast %jit3A_231 : f32 to vector<1152x512xf32>
    %select_n3A_235 = arith.select %ge3A_230, %broadcast_in_dim3A_233, %broadcast_in_dim3A_234 : vector<1152x512xi1>, vector<1152x512xf32>
    %reduce_min3A_236 = arith.constant dense<0x7F800000> : vector<1152xf32>
    %reduce_min3A_237 = vector.multi_reduction <minimumf>, %select_n3A_235, %reduce_min3A_236 [1] : vector<1152x512xf32> to vector<1152xf32>
    %broadcast_in_dim3A_238 = vector.shape_cast %reduce_min3A_237 : vector<1152xf32> to vector<1152x1xf32>
    %gt3A_239 = arith.cmpf ogt, %broadcast_in_dim3A_228, %select_n3A_220 : vector<1152x1xf32>
    %add3A_240 = arith.constant 4.608000e+03 : f32
    %add3A_241 = vector.broadcast %add3A_240 : f32 to vector<1152x1xf32>
    %add3A_242 = arith.addf %broadcast_in_dim3A_238, %add3A_241 : vector<1152x1xf32>
    %select_n3A_243 = arith.select %gt3A_239, %add3A_242, %select_n3A_219 : vector<1152x1xi1>, vector<1152x1xf32>
    %select_n3A_244 = arith.select %gt3A_239, %broadcast_in_dim3A_228, %select_n3A_220 : vector<1152x1xi1>, vector<1152x1xf32>
    %get3A_245 = arith.constant 5120 : index
    %get3A_246 = arith.constant 0 : index
    %get3A_247 = vector.load %arg4[%get3A_245, %get3A_246] : memref<8192x256xf32, #tpu.memory_space<vmem>>, vector<512x256xf32>
    %dot_general3A_248 = arith.constant dense<0.000000e+00> : vector<1152x512xf32>
    %dot_general3A_249 = tpu.matmul %div3A_7, %get3A_247, %dot_general3A_248 {dimension_numbers = #tpu.dot_dimension_numbers<[1], [1], [0], [0], [0, 0, 1, 0], [], []>, transpose_lhs_hint = false} : vector<1152x256xf32>, vector<512x256xf32>, vector<1152x512xf32> -> vector<1152x512xf32>
    %reduce_max3A_250 = arith.constant dense<0xFF800000> : vector<1152xf32>
    %reduce_max3A_251 = vector.multi_reduction <maximumf>, %dot_general3A_249, %reduce_max3A_250 [1] : vector<1152x512xf32> to vector<1152xf32>
    %broadcast_in_dim3A_252 = vector.shape_cast %reduce_max3A_251 : vector<1152xf32> to vector<1152x1xf32>
    %ge3A_253 = vector.broadcast %broadcast_in_dim3A_252 : vector<1152x1xf32> to vector<1152x512xf32>
    %ge3A_254 = arith.cmpf oge, %dot_general3A_249, %ge3A_253 : vector<1152x512xf32>
    %jit3A_255 = arith.constant 8.192000e+03 : f32
    %broadcast_in_dim3A_256 = vector.shape_cast %convert_element_type3A_8 : vector<1x512xf32> to vector<1x512xf32>
    %broadcast_in_dim3A_257 = vector.broadcast %broadcast_in_dim3A_256 : vector<1x512xf32> to vector<1152x512xf32>
    %broadcast_in_dim3A_258 = vector.broadcast %jit3A_255 : f32 to vector<1152x512xf32>
    %select_n3A_259 = arith.select %ge3A_254, %broadcast_in_dim3A_257, %broadcast_in_dim3A_258 : vector<1152x512xi1>, vector<1152x512xf32>
    %reduce_min3A_260 = arith.constant dense<0x7F800000> : vector<1152xf32>
    %reduce_min3A_261 = vector.multi_reduction <minimumf>, %select_n3A_259, %reduce_min3A_260 [1] : vector<1152x512xf32> to vector<1152xf32>
    %broadcast_in_dim3A_262 = vector.shape_cast %reduce_min3A_261 : vector<1152xf32> to vector<1152x1xf32>
    %gt3A_263 = arith.cmpf ogt, %broadcast_in_dim3A_252, %select_n3A_244 : vector<1152x1xf32>
    %add3A_264 = arith.constant 5.120000e+03 : f32
    %add3A_265 = vector.broadcast %add3A_264 : f32 to vector<1152x1xf32>
    %add3A_266 = arith.addf %broadcast_in_dim3A_262, %add3A_265 : vector<1152x1xf32>
    %select_n3A_267 = arith.select %gt3A_263, %add3A_266, %select_n3A_243 : vector<1152x1xi1>, vector<1152x1xf32>
    %select_n3A_268 = arith.select %gt3A_263, %broadcast_in_dim3A_252, %select_n3A_244 : vector<1152x1xi1>, vector<1152x1xf32>
    %get3A_269 = arith.constant 5632 : index
    %get3A_270 = arith.constant 0 : index
    %get3A_271 = vector.load %arg4[%get3A_269, %get3A_270] : memref<8192x256xf32, #tpu.memory_space<vmem>>, vector<512x256xf32>
    %dot_general3A_272 = arith.constant dense<0.000000e+00> : vector<1152x512xf32>
    %dot_general3A_273 = tpu.matmul %div3A_7, %get3A_271, %dot_general3A_272 {dimension_numbers = #tpu.dot_dimension_numbers<[1], [1], [0], [0], [0, 0, 1, 0], [], []>, transpose_lhs_hint = false} : vector<1152x256xf32>, vector<512x256xf32>, vector<1152x512xf32> -> vector<1152x512xf32>
    %reduce_max3A_274 = arith.constant dense<0xFF800000> : vector<1152xf32>
    %reduce_max3A_275 = vector.multi_reduction <maximumf>, %dot_general3A_273, %reduce_max3A_274 [1] : vector<1152x512xf32> to vector<1152xf32>
    %broadcast_in_dim3A_276 = vector.shape_cast %reduce_max3A_275 : vector<1152xf32> to vector<1152x1xf32>
    %ge3A_277 = vector.broadcast %broadcast_in_dim3A_276 : vector<1152x1xf32> to vector<1152x512xf32>
    %ge3A_278 = arith.cmpf oge, %dot_general3A_273, %ge3A_277 : vector<1152x512xf32>
    %jit3A_279 = arith.constant 8.192000e+03 : f32
    %broadcast_in_dim3A_280 = vector.shape_cast %convert_element_type3A_8 : vector<1x512xf32> to vector<1x512xf32>
    %broadcast_in_dim3A_281 = vector.broadcast %broadcast_in_dim3A_280 : vector<1x512xf32> to vector<1152x512xf32>
    %broadcast_in_dim3A_282 = vector.broadcast %jit3A_279 : f32 to vector<1152x512xf32>
    %select_n3A_283 = arith.select %ge3A_278, %broadcast_in_dim3A_281, %broadcast_in_dim3A_282 : vector<1152x512xi1>, vector<1152x512xf32>
    %reduce_min3A_284 = arith.constant dense<0x7F800000> : vector<1152xf32>
    %reduce_min3A_285 = vector.multi_reduction <minimumf>, %select_n3A_283, %reduce_min3A_284 [1] : vector<1152x512xf32> to vector<1152xf32>
    %broadcast_in_dim3A_286 = vector.shape_cast %reduce_min3A_285 : vector<1152xf32> to vector<1152x1xf32>
    %gt3A_287 = arith.cmpf ogt, %broadcast_in_dim3A_276, %select_n3A_268 : vector<1152x1xf32>
    %add3A_288 = arith.constant 5.632000e+03 : f32
    %add3A_289 = vector.broadcast %add3A_288 : f32 to vector<1152x1xf32>
    %add3A_290 = arith.addf %broadcast_in_dim3A_286, %add3A_289 : vector<1152x1xf32>
    %select_n3A_291 = arith.select %gt3A_287, %add3A_290, %select_n3A_267 : vector<1152x1xi1>, vector<1152x1xf32>
    %select_n3A_292 = arith.select %gt3A_287, %broadcast_in_dim3A_276, %select_n3A_268 : vector<1152x1xi1>, vector<1152x1xf32>
    %get3A_293 = arith.constant 6144 : index
    %get3A_294 = arith.constant 0 : index
    %get3A_295 = vector.load %arg4[%get3A_293, %get3A_294] : memref<8192x256xf32, #tpu.memory_space<vmem>>, vector<512x256xf32>
    %dot_general3A_296 = arith.constant dense<0.000000e+00> : vector<1152x512xf32>
    %dot_general3A_297 = tpu.matmul %div3A_7, %get3A_295, %dot_general3A_296 {dimension_numbers = #tpu.dot_dimension_numbers<[1], [1], [0], [0], [0, 0, 1, 0], [], []>, transpose_lhs_hint = false} : vector<1152x256xf32>, vector<512x256xf32>, vector<1152x512xf32> -> vector<1152x512xf32>
    %reduce_max3A_298 = arith.constant dense<0xFF800000> : vector<1152xf32>
    %reduce_max3A_299 = vector.multi_reduction <maximumf>, %dot_general3A_297, %reduce_max3A_298 [1] : vector<1152x512xf32> to vector<1152xf32>
    %broadcast_in_dim3A_300 = vector.shape_cast %reduce_max3A_299 : vector<1152xf32> to vector<1152x1xf32>
    %ge3A_301 = vector.broadcast %broadcast_in_dim3A_300 : vector<1152x1xf32> to vector<1152x512xf32>
    %ge3A_302 = arith.cmpf oge, %dot_general3A_297, %ge3A_301 : vector<1152x512xf32>
    %jit3A_303 = arith.constant 8.192000e+03 : f32
    %broadcast_in_dim3A_304 = vector.shape_cast %convert_element_type3A_8 : vector<1x512xf32> to vector<1x512xf32>
    %broadcast_in_dim3A_305 = vector.broadcast %broadcast_in_dim3A_304 : vector<1x512xf32> to vector<1152x512xf32>
    %broadcast_in_dim3A_306 = vector.broadcast %jit3A_303 : f32 to vector<1152x512xf32>
    %select_n3A_307 = arith.select %ge3A_302, %broadcast_in_dim3A_305, %broadcast_in_dim3A_306 : vector<1152x512xi1>, vector<1152x512xf32>
    %reduce_min3A_308 = arith.constant dense<0x7F800000> : vector<1152xf32>
    %reduce_min3A_309 = vector.multi_reduction <minimumf>, %select_n3A_307, %reduce_min3A_308 [1] : vector<1152x512xf32> to vector<1152xf32>
    %broadcast_in_dim3A_310 = vector.shape_cast %reduce_min3A_309 : vector<1152xf32> to vector<1152x1xf32>
    %gt3A_311 = arith.cmpf ogt, %broadcast_in_dim3A_300, %select_n3A_292 : vector<1152x1xf32>
    %add3A_312 = arith.constant 6.144000e+03 : f32
    %add3A_313 = vector.broadcast %add3A_312 : f32 to vector<1152x1xf32>
    %add3A_314 = arith.addf %broadcast_in_dim3A_310, %add3A_313 : vector<1152x1xf32>
    %select_n3A_315 = arith.select %gt3A_311, %add3A_314, %select_n3A_291 : vector<1152x1xi1>, vector<1152x1xf32>
    %select_n3A_316 = arith.select %gt3A_311, %broadcast_in_dim3A_300, %select_n3A_292 : vector<1152x1xi1>, vector<1152x1xf32>
    %get3A_317 = arith.constant 6656 : index
    %get3A_318 = arith.constant 0 : index
    %get3A_319 = vector.load %arg4[%get3A_317, %get3A_318] : memref<8192x256xf32, #tpu.memory_space<vmem>>, vector<512x256xf32>
    %dot_general3A_320 = arith.constant dense<0.000000e+00> : vector<1152x512xf32>
    %dot_general3A_321 = tpu.matmul %div3A_7, %get3A_319, %dot_general3A_320 {dimension_numbers = #tpu.dot_dimension_numbers<[1], [1], [0], [0], [0, 0, 1, 0], [], []>, transpose_lhs_hint = false} : vector<1152x256xf32>, vector<512x256xf32>, vector<1152x512xf32> -> vector<1152x512xf32>
    %reduce_max3A_322 = arith.constant dense<0xFF800000> : vector<1152xf32>
    %reduce_max3A_323 = vector.multi_reduction <maximumf>, %dot_general3A_321, %reduce_max3A_322 [1] : vector<1152x512xf32> to vector<1152xf32>
    %broadcast_in_dim3A_324 = vector.shape_cast %reduce_max3A_323 : vector<1152xf32> to vector<1152x1xf32>
    %ge3A_325 = vector.broadcast %broadcast_in_dim3A_324 : vector<1152x1xf32> to vector<1152x512xf32>
    %ge3A_326 = arith.cmpf oge, %dot_general3A_321, %ge3A_325 : vector<1152x512xf32>
    %jit3A_327 = arith.constant 8.192000e+03 : f32
    %broadcast_in_dim3A_328 = vector.shape_cast %convert_element_type3A_8 : vector<1x512xf32> to vector<1x512xf32>
    %broadcast_in_dim3A_329 = vector.broadcast %broadcast_in_dim3A_328 : vector<1x512xf32> to vector<1152x512xf32>
    %broadcast_in_dim3A_330 = vector.broadcast %jit3A_327 : f32 to vector<1152x512xf32>
    %select_n3A_331 = arith.select %ge3A_326, %broadcast_in_dim3A_329, %broadcast_in_dim3A_330 : vector<1152x512xi1>, vector<1152x512xf32>
    %reduce_min3A_332 = arith.constant dense<0x7F800000> : vector<1152xf32>
    %reduce_min3A_333 = vector.multi_reduction <minimumf>, %select_n3A_331, %reduce_min3A_332 [1] : vector<1152x512xf32> to vector<1152xf32>
    %broadcast_in_dim3A_334 = vector.shape_cast %reduce_min3A_333 : vector<1152xf32> to vector<1152x1xf32>
    %gt3A_335 = arith.cmpf ogt, %broadcast_in_dim3A_324, %select_n3A_316 : vector<1152x1xf32>
    %add3A_336 = arith.constant 6.656000e+03 : f32
    %add3A_337 = vector.broadcast %add3A_336 : f32 to vector<1152x1xf32>
    %add3A_338 = arith.addf %broadcast_in_dim3A_334, %add3A_337 : vector<1152x1xf32>
    %select_n3A_339 = arith.select %gt3A_335, %add3A_338, %select_n3A_315 : vector<1152x1xi1>, vector<1152x1xf32>
    %select_n3A_340 = arith.select %gt3A_335, %broadcast_in_dim3A_324, %select_n3A_316 : vector<1152x1xi1>, vector<1152x1xf32>
    %get3A_341 = arith.constant 7168 : index
    %get3A_342 = arith.constant 0 : index
    %get3A_343 = vector.load %arg4[%get3A_341, %get3A_342] : memref<8192x256xf32, #tpu.memory_space<vmem>>, vector<512x256xf32>
    %dot_general3A_344 = arith.constant dense<0.000000e+00> : vector<1152x512xf32>
    %dot_general3A_345 = tpu.matmul %div3A_7, %get3A_343, %dot_general3A_344 {dimension_numbers = #tpu.dot_dimension_numbers<[1], [1], [0], [0], [0, 0, 1, 0], [], []>, transpose_lhs_hint = false} : vector<1152x256xf32>, vector<512x256xf32>, vector<1152x512xf32> -> vector<1152x512xf32>
    %reduce_max3A_346 = arith.constant dense<0xFF800000> : vector<1152xf32>
    %reduce_max3A_347 = vector.multi_reduction <maximumf>, %dot_general3A_345, %reduce_max3A_346 [1] : vector<1152x512xf32> to vector<1152xf32>
    %broadcast_in_dim3A_348 = vector.shape_cast %reduce_max3A_347 : vector<1152xf32> to vector<1152x1xf32>
    %ge3A_349 = vector.broadcast %broadcast_in_dim3A_348 : vector<1152x1xf32> to vector<1152x512xf32>
    %ge3A_350 = arith.cmpf oge, %dot_general3A_345, %ge3A_349 : vector<1152x512xf32>
    %jit3A_351 = arith.constant 8.192000e+03 : f32
    %broadcast_in_dim3A_352 = vector.shape_cast %convert_element_type3A_8 : vector<1x512xf32> to vector<1x512xf32>
    %broadcast_in_dim3A_353 = vector.broadcast %broadcast_in_dim3A_352 : vector<1x512xf32> to vector<1152x512xf32>
    %broadcast_in_dim3A_354 = vector.broadcast %jit3A_351 : f32 to vector<1152x512xf32>
    %select_n3A_355 = arith.select %ge3A_350, %broadcast_in_dim3A_353, %broadcast_in_dim3A_354 : vector<1152x512xi1>, vector<1152x512xf32>
    %reduce_min3A_356 = arith.constant dense<0x7F800000> : vector<1152xf32>
    %reduce_min3A_357 = vector.multi_reduction <minimumf>, %select_n3A_355, %reduce_min3A_356 [1] : vector<1152x512xf32> to vector<1152xf32>
    %broadcast_in_dim3A_358 = vector.shape_cast %reduce_min3A_357 : vector<1152xf32> to vector<1152x1xf32>
    %gt3A_359 = arith.cmpf ogt, %broadcast_in_dim3A_348, %select_n3A_340 : vector<1152x1xf32>
    %add3A_360 = arith.constant 7.168000e+03 : f32
    %add3A_361 = vector.broadcast %add3A_360 : f32 to vector<1152x1xf32>
    %add3A_362 = arith.addf %broadcast_in_dim3A_358, %add3A_361 : vector<1152x1xf32>
    %select_n3A_363 = arith.select %gt3A_359, %add3A_362, %select_n3A_339 : vector<1152x1xi1>, vector<1152x1xf32>
    %select_n3A_364 = arith.select %gt3A_359, %broadcast_in_dim3A_348, %select_n3A_340 : vector<1152x1xi1>, vector<1152x1xf32>
    %get3A_365 = arith.constant 7680 : index
    %get3A_366 = arith.constant 0 : index
    %get3A_367 = vector.load %arg4[%get3A_365, %get3A_366] : memref<8192x256xf32, #tpu.memory_space<vmem>>, vector<512x256xf32>
    %dot_general3A_368 = arith.constant dense<0.000000e+00> : vector<1152x512xf32>
    %dot_general3A_369 = tpu.matmul %div3A_7, %get3A_367, %dot_general3A_368 {dimension_numbers = #tpu.dot_dimension_numbers<[1], [1], [0], [0], [0, 0, 1, 0], [], []>, transpose_lhs_hint = false} : vector<1152x256xf32>, vector<512x256xf32>, vector<1152x512xf32> -> vector<1152x512xf32>
    %reduce_max3A_370 = arith.constant dense<0xFF800000> : vector<1152xf32>
    %reduce_max3A_371 = vector.multi_reduction <maximumf>, %dot_general3A_369, %reduce_max3A_370 [1] : vector<1152x512xf32> to vector<1152xf32>
    %broadcast_in_dim3A_372 = vector.shape_cast %reduce_max3A_371 : vector<1152xf32> to vector<1152x1xf32>
    %ge3A_373 = vector.broadcast %broadcast_in_dim3A_372 : vector<1152x1xf32> to vector<1152x512xf32>
    %ge3A_374 = arith.cmpf oge, %dot_general3A_369, %ge3A_373 : vector<1152x512xf32>
    %jit3A_375 = arith.constant 8.192000e+03 : f32
    %broadcast_in_dim3A_376 = vector.shape_cast %convert_element_type3A_8 : vector<1x512xf32> to vector<1x512xf32>
    %broadcast_in_dim3A_377 = vector.broadcast %broadcast_in_dim3A_376 : vector<1x512xf32> to vector<1152x512xf32>
    %broadcast_in_dim3A_378 = vector.broadcast %jit3A_375 : f32 to vector<1152x512xf32>
    %select_n3A_379 = arith.select %ge3A_374, %broadcast_in_dim3A_377, %broadcast_in_dim3A_378 : vector<1152x512xi1>, vector<1152x512xf32>
    %reduce_min3A_380 = arith.constant dense<0x7F800000> : vector<1152xf32>
    %reduce_min3A_381 = vector.multi_reduction <minimumf>, %select_n3A_379, %reduce_min3A_380 [1] : vector<1152x512xf32> to vector<1152xf32>
    %broadcast_in_dim3A_382 = vector.shape_cast %reduce_min3A_381 : vector<1152xf32> to vector<1152x1xf32>
    %gt3A_383 = arith.cmpf ogt, %broadcast_in_dim3A_372, %select_n3A_364 : vector<1152x1xf32>
    %add3A_384 = arith.constant 7.680000e+03 : f32
    %add3A_385 = vector.broadcast %add3A_384 : f32 to vector<1152x1xf32>
    %add3A_386 = arith.addf %broadcast_in_dim3A_382, %add3A_385 : vector<1152x1xf32>
    %select_n3A_387 = arith.select %gt3A_383, %add3A_386, %select_n3A_363 : vector<1152x1xi1>, vector<1152x1xf32>
    %convert_element_type3A_388 = arith.fptosi %select_n3A_387 : vector<1152x1xf32> to vector<1152x1xi32>
    %swap3A = arith.constant 0 : index
    %swap3A_389 = arith.constant 0 : index
    %swap3A_390 = vector.load %arg3[%swap3A, %swap3A_389] : memref<1152x1xi32, #tpu.memory_space<vmem>>, vector<1152x1xi32>
    tpu.vector_store %arg3[%swap3A, %swap3A_389], %convert_element_type3A_388 {strides = array<i32>} : memref<1152x1xi32, #tpu.memory_space<vmem>>, vector<1152x1xi32>,
    return
  }
  func.func @transform_0(%arg0: i32) -> (i32, i32) {
    %c0_i32 = arith.constant 0 : i32
    %c0_i32_0 = arith.constant 0 : i32
    return %arg0, %c0_i32 : i32, i32
  }
  func.func @transform_1(%arg0: i32) -> (i32, i32) {
    %c0_i32 = arith.constant 0 : i32
    %c0_i32_0 = arith.constant 0 : i32
    %c0_i32_1 = arith.constant 0 : i32
    return %c0_i32, %c0_i32_0 : i32, i32
  }
  func.func @transform_2(%arg0: i32) -> (i32, i32) {
    %c0_i32 = arith.constant 0 : i32
    %c0_i32_0 = arith.constant 0 : i32
    return %arg0, %c0_i32 : i32, i32
  }
}

</mosaic_0001>

<sc_bundles>
// kernel: kernel.4.cloned.1.call-start
scs
__scs_entry_jumppad:
0x0: {  	(pc) =	sbr.rel $0x88, $3  }
0x1: {  	(tag) =	ssettag $0x0;
	lr =	simm.s32 $0x1  }
0x2: {  	[smem:$0x3F9F] =	sst lr;
	_ =	strace $0xD0000000  }
0x3: {  	_ = 	snop  }
0x4: {  	_ = 	snop  }
0x5: {  	_ = 	snop  }
0x6: {  	_ = 	snop  }
0x7: {  	_ = 	snop  }
__scs_overlays_trampoline_lowered:
0x8: {  	[smem:$0x3FAE] =	sst s0  }
0x9: {  	[smem:$0x3FAF] =	sst s1  }
0xa: {  	[smem:$0x3FB0] =	sst s2  }
0xb: {  	[smem:$0x3FB1] =	sst s3  }
0xc: {  	[smem:$0x3FB2] =	sst s4  }
0xd: {  	[smem:$0x3FB3] =	sst s5  }
0xe: {  	[smem:$0x3FB4] =	sst s6  }
0xf: {  	[smem:$0x3FB5] =	sst s7  }
0x10: {  	[smem:$0x3FB6] =	sst s8  }
0x11: {  	[smem:$0x3FB7] =	sst s9;
	s0 =	simm.s32 @!p0 $0x0  }
0x12: {  	s1 =	sld [smem:$0x3F9D];
	s0 =	simm.s32 @p0 $0x1  }
0x13: {  	[smem:$0x3FB8] =	sst s0;
	s0 =	simm.s32 @!p1 $0x0  }
0x14: {  	s2 =	sld [smem:$0x3F9C];
	s0 =	simm.s32 @p1 $0x1  }
0x15: {  	[smem:$0x3FB9] =	sst s0;
	s0 =	simm.s32 @!p2 $0x0  }
0x16: {  	s3 =	sld [smem:$0x3FDB];
	s0 =	simm.s32 @p2 $0x1  }
0x17: {  	s4 =	simm.s32 $0x1BF5;
	[smem:$0x3FBB] =	sst s0  }
0x18: {  	s0 =	sld [smem:$0x3F9E];
	_ =	swait.ge [sflag:s4], $0x0  }
0x19: {  	s7 =	sld [smem:$0x3F9F]  }
0x1a: {  	s8 =	sadd.s32 $0xFFFFE003, lr  }
0x1b: {  	s9 =	sadd.s32 $0xFFFFFEF7, lr;
	s5 =	simm.s32 $0xFFFFFFFF;
	p2 =	slt.u32 s8, $0xFFFFF086  }
0x1c: {  	p1 =	slt.u32 s9, $0xF7A;
	s5 =	simm.s32 @!p2 $0x0  }
0x1d: {  	s5 =	simm.s32 @p1 $0x1;
	p0 =	seq.s32 s7, s2  }
0x1e: {  	s7 =	smul.u32 @!p0 $0xF7A, s2;
	p2 =	seq.s32 @!p0 s5, $0x0  }
0x1f: {  	s9 =	smul.u32 $0xF7A, s1;
	s8 =	simm.s32 @!p0 $0x1BF5;
	p2 =	por !p2, p0  }
0x20: {  	[sflag:s8] =	ssyncset.s32 @!p0 $0xFFFFF086;
	s6 =	sadd.s32 @!p0 s3, s7;
	s7 =	simm.s32 @!p0 $0x108  }
0x21: {  	s3 =	sadd.s32 s3, s9;
	s6 =	sadd.s32 @!p0 $0x88, s6;
	s7 =	simm.s32 @p2 $0x1082  }
0x22: {  	[simem:s7], [sflag:s8] =	dma.local @!p0 [hbm:s6], $0xF7A  }
0x23: {  	s9 =	sor.u32 $0xD0000000, s2;
	s6 =	simm.s32 $0x108;
	_ =	swait.ge @!p0 [sflag:s8], $0x0  }
0x24: {  	s3 =	sadd.s32 $0x88, s3;
	s6 =	simm.s32 @!p1 $0x1082;
	[sflag:s4] =	ssyncset.s32 $0xFFFFF086  }
0x25: {  	[simem:s6], [sflag:s4] =	dma.local [hbm:s3], $0xF7A  }
0x26: {  	[smem:$0x3F9F] =	sst s1;
	(tag) =	ssettag s2;
	_ =	strace s9  }
0x27: {  	s1 =	sld [smem:$0x3FAF]  }
0x28: {  	s2 =	sld [smem:$0x3FB0]  }
0x29: {  	s4 =	sld [smem:$0x3FB2]  }
0x2a: {  	p0 =	seq.s32 s5, $0x0;
	s5 =	sld [smem:$0x3FB3]  }
0x2b: {  	s6 =	sld [smem:$0x3FB4]  }
0x2c: {  	s7 =	sld [smem:$0x3FB5]  }
0x2d: {  	s3 =	simm.s32 $0x108;
	s8 =	sld [smem:$0x3FB6]  }
0x2e: {  	s3 =	simm.s32 @!p0 $0x1082;
	s9 =	sld [smem:$0x3FB7]  }
0x2f: {  	lr =	sadd.s32 s0, s3;
	s0 =	sld [smem:$0x3FAE]  }
0x30: {  	s3 =	sld [smem:$0x3FB1]  }
0x31: {  	[smem:$0x3FBA] =	sst s10  }
0x32: {  	s10 =	sld [smem:$0x3FB8];
	_ =	sdelay $0x3  }
0x33: {  	p0 =	seq.s32 s10, $0x1;
	s10 =	sld [smem:$0x3FBA];
	_ =	sdelay $0x3  }
0x34: {  	[smem:$0x3FBA] =	sst s10  }
0x35: {  	s10 =	sld [smem:$0x3FB9];
	_ =	sdelay $0x3  }
0x36: {  	p1 =	seq.s32 s10, $0x1;
	s10 =	sld [smem:$0x3FBA];
	_ =	sdelay $0x3  }
0x37: {  	[smem:$0x3FBA] =	sst s10  }
0x38: {  	s10 =	sld [smem:$0x3FBB]  }
0x39: {  	_ = 	snop;
	(pc) =	sbr.ind lr, $3  }
0x3a: {  	_ = 	snop  }
0x3b: {  	_ = 	snop  }
0x3c: {  	p2 =	seq.s32 s10, $0x1;
	s10 =	sld [smem:$0x3FBA]  }
0x3d: {  	_ =	shalt  }
0x3e: {  	_ =	shalt  }
0x3f: {  	_ =	shalt  }
0x40: {  	_ =	shalt  }
0x41: {  	_ =	shalt  }
0x42: {  	_ =	shalt  }
0x43: {  	_ =	shalt  }
0x44: {  	_ =	shalt  }
0x45: {  	_ =	shalt  }
0x46: {  	_ =	shalt  }
0x47: {  	_ =	shalt  }
0x48: {  	_ =	shalt  }
0x49: {  	_ =	shalt  }
0x4a: {  	_ =	shalt  }
0x4b: {  	_ =	shalt  }
0x4c: {  	_ =	shalt  }
0x4d: {  	_ =	shalt  }
0x4e: {  	_ =	shalt  }
0x4f: {  	_ =	shalt  }
0x50: {  	_ =	shalt  }
0x51: {  	_ =	shalt  }
0x52: {  	_ =	shalt  }
0x53: {  	_ =	shalt  }
0x54: {  	_ =	shalt  }
0x55: {  	_ =	shalt  }
0x56: {  	_ =	shalt  }
0x57: {  	_ =	shalt  }
0x58: {  	_ =	shalt  }
0x59: {  	_ =	shalt  }
0x5a: {  	_ =	shalt  }
0x5b: {  	_ =	shalt  }
0x5c: {  	_ =	shalt  }
0x5d: {  	_ =	shalt  }
0x5e: {  	_ =	shalt  }
0x5f: {  	_ =	shalt  }
0x60: {  	_ =	shalt  }
0x61: {  	_ =	shalt  }
0x62: {  	_ =	shalt  }
0x63: {  	_ =	shalt  }
0x64: {  	_ =	shalt  }
0x65: {  	_ =	shalt  }
0x66: {  	_ =	shalt  }
0x67: {  	_ =	shalt  }
0x68: {  	_ =	shalt  }
0x69: {  	_ =	shalt  }
0x6a: {  	_ =	shalt  }
0x6b: {  	_ =	shalt  }
0x6c: {  	_ =	shalt  }
0x6d: {  	_ =	shalt  }
0x6e: {  	_ =	shalt  }
0x6f: {  	_ =	shalt  }
0x70: {  	_ =	shalt  }
0x71: {  	_ =	shalt  }
0x72: {  	_ =	shalt  }
0x73: {  	_ =	shalt  }
0x74: {  	_ =	shalt  }
0x75: {  	_ =	shalt  }
0x76: {  	_ =	shalt  }
0x77: {  	_ =	shalt  }
0x78: {  	_ =	shalt  }
0x79: {  	_ =	shalt  }
0x7a: {  	_ =	shalt  }
0x7b: {  	_ =	shalt  }
0x7c: {  	_ =	shalt  }
0x7d: {  	_ =	shalt  }
0x7e: {  	_ =	shalt  }
0x7f: {  	_ =	shalt  }
0x80: {  	_ =	shalt  }
0x81: {  	_ =	shalt  }
0x82: {  	_ =	shalt  }
0x83: {  	_ =	shalt  }
0x84: {  	_ =	shalt  }
0x85: {  	_ =	shalt  }
0x86: {  	_ =	shalt  }
0x87: {  	_ =	shalt  }
.Lfunc_end0:
.L_simem_size_0:
called_computation_lowered:
.L_overlay_start_0:
0x88: {  	s2 =	sld [smem:$0x3FD9]  }
0x89: {  	s3 =	sld [smem:$0x3FFE];
	_ =	sdelay $0x1  }
0x8a: {  	s1 =	srdreg.scid  }
0x8b: {  	s0 =	sand.u32 $0x1, s1  }
0x8c: {  	s14 =	sshll.u32 s0, $0xA;
	s2 =	sadd.s32 s3, s2  }
0x8d: {  	s2 =	sadd.s32 s2, s14  }
0x8e: {  	[smem:$0x3FC6] =	sst s2  }
0x8f: {  	_ = 	snop  }
0x90: {  	s2 =	sld [smem:$0x3FD0];
	_ =	sdelay $0x2  }
0x91: {  	s4 =	simm.s32 $0xA;
	s5 =	simm.s32 $0x10;
	s15 =	sld [smem:$0x3FC8]  }
0x92: {  	[smem:s5], [sflag:s4] =	dma.local [hbm:s2], $0x1  }
0x93: {  	_ =	swait.eq [sflag:s4], $0x1  }
0x94: {  	[sflag:s4] =	ssyncset.done $0x0  }
0x95: {  	[sflag:s4] =	ssyncadd.s32 $0xFFFFFFFF  }
0x96: {  	s16 =	sld [smem:$0x10];
	(tm) =	ssettm $0x1  }
0x97: {  	s17 =	sld [smem:$0x3FFB];
	_ =	sdelay $0x3  }
0x98: {  	_ =	strace s17  }
0x99: {  	s4 =	sld [smem:$0x3FFC];
	_ =	sdelay $0x3  }
0x9a: {  	_ =	strace s4  }
0x9b: {  	s4 =	sld [smem:$0x3FFD];
	_ =	sdelay $0x3  }
0x9c: {  	_ =	strace s4  }
0x9d: {  	_ =	strace $0x8FFFFFFF  }
0x9e: {  	s18 =	sld [smem:$0x3FDB];
	_ =	sdelay $0x1  }
0x9f: {  	s19 =	simm.s32 $_scs_section_size  }
0xa0: {  	s6 =	simm.s32 $_size__tile_overlayer_lowered;
	s7 =	simm.s32 $_tile_overlayer_lowered  }
0xa1: {  	s22 =	simm.s32 $0x1BFF;
	s21 =	sshll.u32 s7, $0x1;
	s4 =	sadd.s32 s19, s18  }
0xa2: {  	s8 =	simm.s32 $0x0;
	s20 =	sshll.u32 s6, $0x1;
	s6 =	sadd.s32 s21, s4  }
0xa3: {  	[timem:s8], [sflag:s22] =	dma.local [hbm:s6], s20  }
0xa4: {  	_ =	swait.ge [sflag:s22], s20  }
0xa5: {  	s5 =	ssub.s32 $0x0, s20;
	[sflag:s22] =	ssyncset.done $0x0  }
0xa6: {  	[sflag:s22] =	ssyncadd.s32 s5;
	_ =	sdelay $0x1  }
0xa7: {  	s23 =	simm.s32 $0x1B8B  }
0xa8: {  	_ =	swait.ge [sflag:s23], $0x1  }
0xa9: {  	[sflag:s23] =	ssyncset.done $0x0  }
0xaa: {  	s25 =	simm.s32 $0x1B8E;
	s24 =	sld [smem:$0x3FFE];
	[sflag:s23] =	ssyncadd.s32 $0xFFFFFFFF  }
0xab: {  	s26 =	simm.s32 $execute0_lowered;
	[smem:$0x3FD2] =	sst s25  }
0xac: {  	s6 =	sshll.u32 s26, $0x1;
	_ =	strace $0x80000046;
	[dreg:$0x1] =	wrdreg $0xFFFFFFFF  }
0xad: {  	s28 =	simm.s32 $_size_execute0_lowered;
	s4 =	sadd.s32 s4, s6;
	[dreg:$0x0] =	wrdreg $0x0  }
0xae: {  	s6 =	sshll.u32 s28, $0x1;
	[dreg:$0x2] =	wrdreg s4  }
0xaf: {  	[dreg:$0x3] =	wrdreg s6  }
0xb0: {  	[dreg:$0x4] =	wrdreg $0xC0  }
0xb1: {  	_ =	task [dreg:s8], $0x5FFFF  }
0xb2: {  	[dreg:$0x1] =	wrdreg $0xFFFFFFFF  }
0xb3: {  	[dreg:$0x0] =	wrdreg $0x60  }
0xb4: {  	[dreg:$0x2] =	wrdreg s15  }
0xb5: {  	[dreg:$0x3] =	wrdreg s24  }
0xb6: {  	[dreg:$0x4] =	wrdreg s16  }
0xb7: {  	[dreg:$0x5] =	wrdreg $0x9  }
0xb8: {  	_ =	task.clear_ibuf [dreg:s8], $0x6FFFF;
	_ =	strace $0x90000046  }
0xb9: {  	s29 =	simm.s32 $0x9;
	_ =	strace $0x80000048  }
0xba: {  	_ =	swait.ge [sflag:s29], $0x1  }
0xbb: {  	[sflag:s29] =	ssyncadd.s32 $0xFFFFFFFF  }
0xbc: {  	_ =	strace $0x90000048  }
0xbd: {  	_ =	sfence  }
0xbe: {  	s30 =	sld [smem:$0x0];
	_ =	sdelay $0x2  }
0xbf: {  	s31 =	sshll.u32 s1, $0xD;
	s1 =	sshrl.u32 s1, $0x2  }
0xc0: {  	s3 =	sand.u32 $0x4000, s31;
	s1 =	sadd.s32 s1, s30  }
0xc1: {  	s0 =	sor.u32 s3, s0;
	s1 =	sshll.u32 s1, $0x11  }
0xc2: {  	s0 =	sor.u32 s1, s0  }
0xc3: {  	s0 =	sadd.s32 $0x8F2B, s0  }
0xc4: {  	[sflag:s0] =	ssyncadd.remote.s32 $0x1  }
0xc5: {  	_ =	sfence.sel $0xFFFF  }
0xc6: {  	[dreg:$0x0] =	wrdreg $0xFFFFFFFF;
	(pc) =	sbr.abs _section_cstart, $3  }
0xc7: {  	[dreg:$0x1] =	wrdreg $0xFFFFFFFF  }
0xc8: {  	_ =	task.clear_ibuf [dreg:s8], $0x2FFFF;
	_ =	strace $0x9FFFFFFF  }
0xc9: {  	(tm) =	ssettm $0x7FFFFFFF  }
tec
execute0_lowered:
.L_overlay_start_1:
0x0: {  	(tag) =	ssettag $0x1  }
0x1: {  	s1 =	rddreg [dreg:$0x0]  }
0x2: {  	s4 =	rddreg [dreg:$0x1]  }
0x3: {  	s9 =	rddreg [dreg:$0x2]  }
0x4: {  	s0 =	rddreg [dreg:$0x3]  }
0x5: {  	s5 =	srdreg.scid;
	s2 =	stileid.u32;
	s3 =	simm.s32 $0x0  }
0x6: {  	s14 =	simm.s32 $0x1080;
	s15 =	simm.s32 $0x1880;
	s16 =	simm.s32 $0x2080  }
0x7: {  	s17 =	simm.s32 $0x2880;
	s18 =	simm.s32 $0x3080;
	s19 =	simm.s32 $0x3880  }
0x8: {  	s20 =	simm.s32 $0x4080;
	s5 =	sand.u32 $0x1, s5;
	s6 =	sshll.u32 s2, $0x1  }
0x9: {  	s21 =	simm.s32 $0x4880;
	s22 =	simm.s32 $0x5080;
	s6 =	sor.u32 s5, s6  }
0xa: {  	s23 =	simm.s32 $0x5880;
	s24 =	simm.s32 $0x1;
	s7 =	smul.u32 $0x120, s6  }
0xb: {  	[smem:$0x7FF] =	sst s3;
	s29 =	ssub.s32 $0x2, s5;
	s30 =	smul.u32 $0x24, s6  }
0xc: {  	s8 =	sadd.s32 $0x600, s4;
	s10 =	sshrl.u32 s29, $0x1;
	s6 =	smul.u32 $0x2400, s6  }
0xd: {  	_ =	strace $0x80000047;
	s10 =	ssub.s32 s29, s10;
	s11 =	sadd.s32 $0x60, s7  }
0xe: {  	s4 =	sadd.s32 s8, s30;
	s5 =	sadd.s32 s9, s6;
	s7 =	sadd.s32 $0xC0, s7  }
0xf: {  	s10 =	smax.u32 s10, $0x1;
	s12 =	sshrl.u32 s11, $0x3;
	s11 =	sshll.u32 s11, $0x5  }
0x10: {  	v2 =	vlaneseq.u32;
	s31 =	sshrl.u32 s7, $0x3;
	s13 =	sshll.u32 s7, $0x5;
	s6 =	sadd.s32 s8, s12  }
0x11: {  	vm0 =	vmmov $0xffff;
	v1 =	vshrl.u32 v2, $0x3;
	s7 =	sadd.s32 s9, s11;
	s8 =	sadd.s32 s8, s31;
	s9 =	sadd.s32 s9, s13  }
0x12: {  	v0 =	vand.u32 $0x7, v2;
	v2 =	vor.u32 $0x8, v2;
	v1 =	vmul.u32 $0x8, v1;
	s11 =	simm.s32 $0x2;
	s12 =	simm.s32 $0x80;
	s13 =	simm.s32 $0x880  }
.LBB2_1:
0x13: {  	[tilespmem:s3], [sflag:$0x2] =	stream.linear.gather [hbm4b:s4+s3], $0x60, $0x38;
	[tilespmem:$0x6080] =	vst v63  }
0x14: {  	_ =	swait.ge [sflag:s11], $0x60  }
0x15: {  	[sflag:s11] =	ssyncset.done $0x0  }
0x16: {  	[sflag:s11] =	ssyncadd.s32 $0xFFFFFFA0  }
0x17: {  	v3 =	vld [tilespmem:$0x0];
	_ =	sdelay $0x4  }
0x18: {  	v4 =	vshll.u32 v3, $0x1  }
0x19: {  	v3 =	vand.u32 $0x7, v3;
	v4 =	vand.u32 $0xFFFFFFF0, v4  }
0x1a: {  	v3 =	vor.u32 v3, v4  }
0x1b: {  	v4 =	vperm.xlane v3, v0;
	_ =	sdelay $0x1  }
0x1c: {  	v3 =	vperm.xlane v3, v2;
	v4 =	vadd.s32 v1, v4;
	_ =	sdelay $0x1  }
0x1d: {  	v3 =	vadd.s32 v1, v3;
	_ =	sdelay $0x2  }
0x1e: {  	[tilespmem:s12], [sflag:$0x1] =	stream.indirect_vreg.gather [hbm4b:s1+s3], $0x80, v4, vm0, $0xb8;
	[tilespmem:$0x6080] =	vst v63  }
0x1f: {  	_ = 	snop  }
0x20: {  	[tilespmem:s13], [sflag:$0x1] =	stream.indirect_vreg.gather [hbm4b:s1+s3], $0x80, v3, vm0, $0xb8;
	[tilespmem:$0x6080] =	vst v63  }
0x21: {  	v3 =	vld [tilespmem:$0x10];
	_ =	sdelay $0x4  }
0x22: {  	v47 =	vshll.u32 v3, $0x1  }
0x23: {  	v3 =	vand.u32 $0x7, v3;
	v4 =	vand.u32 $0xFFFFFFF0, v47  }
0x24: {  	v3 =	vor.u32 v3, v4  }
0x25: {  	v4 =	vperm.xlane v3, v0;
	_ =	sdelay $0x1  }
0x26: {  	v3 =	vperm.xlane v3, v2;
	v4 =	vadd.s32 v1, v4;
	_ =	sdelay $0x1  }
0x27: {  	v3 =	vadd.s32 v1, v3;
	_ =	sdelay $0x2  }
0x28: {  	[tilespmem:s14], [sflag:$0x1] =	stream.indirect_vreg.gather [hbm4b:s1+s3], $0x80, v4, vm0, $0xb8;
	[tilespmem:$0x6080] =	vst v63  }
0x29: {  	_ = 	snop  }
0x2a: {  	[tilespmem:s15], [sflag:$0x1] =	stream.indirect_vreg.gather [hbm4b:s1+s3], $0x80, v3, vm0, $0xb8;
	[tilespmem:$0x6080] =	vst v63  }
0x2b: {  	v3 =	vld [tilespmem:$0x20];
	_ =	sdelay $0x4  }
0x2c: {  	v48 =	vshll.u32 v3, $0x1  }
0x2d: {  	v3 =	vand.u32 $0x7, v3;
	v4 =	vand.u32 $0xFFFFFFF0, v48  }
0x2e: {  	v3 =	vor.u32 v3, v4  }
0x2f: {  	v4 =	vperm.xlane v3, v0;
	_ =	sdelay $0x1  }
0x30: {  	v3 =	vperm.xlane v3, v2;
	v4 =	vadd.s32 v1, v4;
	_ =	sdelay $0x1  }
0x31: {  	v3 =	vadd.s32 v1, v3;
	_ =	sdelay $0x2  }
0x32: {  	[tilespmem:s16], [sflag:$0x1] =	stream.indirect_vreg.gather [hbm4b:s1+s3], $0x80, v4, vm0, $0xb8;
	[tilespmem:$0x6080] =	vst v63  }
0x33: {  	_ = 	snop  }
0x34: {  	[tilespmem:s17], [sflag:$0x1] =	stream.indirect_vreg.gather [hbm4b:s1+s3], $0x80, v3, vm0, $0xb8;
	[tilespmem:$0x6080] =	vst v63  }
0x35: {  	v3 =	vld [tilespmem:$0x30];
	_ =	sdelay $0x4  }
0x36: {  	v49 =	vshll.u32 v3, $0x1  }
0x37: {  	v3 =	vand.u32 $0x7, v3;
	v4 =	vand.u32 $0xFFFFFFF0, v49  }
0x38: {  	v3 =	vor.u32 v3, v4  }
0x39: {  	v4 =	vperm.xlane v3, v0;
	_ =	sdelay $0x1  }
0x3a: {  	v3 =	vperm.xlane v3, v2;
	v4 =	vadd.s32 v1, v4;
	_ =	sdelay $0x1  }
0x3b: {  	v3 =	vadd.s32 v1, v3;
	_ =	sdelay $0x2  }
0x3c: {  	[tilespmem:s18], [sflag:$0x1] =	stream.indirect_vreg.gather [hbm4b:s1+s3], $0x80, v4, vm0, $0xb8;
	[tilespmem:$0x6080] =	vst v63  }
0x3d: {  	_ = 	snop  }
0x3e: {  	[tilespmem:s19], [sflag:$0x1] =	stream.indirect_vreg.gather [hbm4b:s1+s3], $0x80, v3, vm0, $0xb8;
	[tilespmem:$0x6080] =	vst v63  }
0x3f: {  	v3 =	vld [tilespmem:$0x40];
	_ =	sdelay $0x4  }
0x40: {  	v50 =	vshll.u32 v3, $0x1  }
0x41: {  	v3 =	vand.u32 $0x7, v3;
	v4 =	vand.u32 $0xFFFFFFF0, v50  }
0x42: {  	v3 =	vor.u32 v3, v4  }
0x43: {  	v4 =	vperm.xlane v3, v0;
	_ =	sdelay $0x1  }
0x44: {  	v3 =	vperm.xlane v3, v2;
	v4 =	vadd.s32 v1, v4;
	_ =	sdelay $0x1  }
0x45: {  	v3 =	vadd.s32 v1, v3;
	_ =	sdelay $0x2  }
0x46: {  	[tilespmem:s20], [sflag:$0x1] =	stream.indirect_vreg.gather [hbm4b:s1+s3], $0x80, v4, vm0, $0xb8;
	[tilespmem:$0x6080] =	vst v63  }
0x47: {  	_ = 	snop  }
0x48: {  	[tilespmem:s21], [sflag:$0x1] =	stream.indirect_vreg.gather [hbm4b:s1+s3], $0x80, v3, vm0, $0xb8;
	[tilespmem:$0x6080] =	vst v63  }
0x49: {  	v3 =	vld [tilespmem:$0x50];
	_ =	sdelay $0x4  }
0x4a: {  	v51 =	vshll.u32 v3, $0x1  }
0x4b: {  	v3 =	vand.u32 $0x7, v3;
	v4 =	vand.u32 $0xFFFFFFF0, v51  }
0x4c: {  	v3 =	vor.u32 v3, v4  }
0x4d: {  	v4 =	vperm.xlane v3, v0;
	_ =	sdelay $0x1  }
0x4e: {  	v3 =	vperm.xlane v3, v2;
	v4 =	vadd.s32 v1, v4;
	_ =	sdelay $0x1  }
0x4f: {  	v3 =	vadd.s32 v1, v3;
	_ =	sdelay $0x2  }
0x50: {  	[tilespmem:s22], [sflag:$0x1] =	stream.indirect_vreg.gather [hbm4b:s1+s3], $0x80, v4, vm0, $0xb8;
	[tilespmem:$0x6080] =	vst v63  }
0x51: {  	_ = 	snop  }
0x52: {  	[tilespmem:s23], [sflag:$0x1] =	stream.indirect_vreg.gather [hbm4b:s1+s3], $0x80, v3, vm0, $0xb8;
	[tilespmem:$0x6080] =	vst v63  }
0x53: {  	_ =	swait.ge [sflag:s24], $0x6000  }
0x54: {  	[sflag:s24] =	ssyncset.done $0x0  }
0x55: {  	[sflag:s24] =	ssyncadd.s32 $0xFFFFA000  }
0x56: {  	[hbm4b:s5+s3] =	stream.linear.scatter [tilespmem:s12], [sflag:$0x2], $0x6000, $0x38;
	[tilespmem:$0x6080] =	vst v63  }
0x57: {  	_ =	swait.ge [sflag:s11], $0x6000  }
0x58: {  	[sflag:s11] =	ssyncset.done $0x0  }
0x59: {  	[sflag:s11] =	ssyncadd.s32 $0xFFFFA000  }
0x5a: {  	[tilespmem:s3], [sflag:$0x2] =	stream.linear.gather [hbm4b:s6+s3], $0x60, $0x38;
	[tilespmem:$0x6080] =	vst v63  }
0x5b: {  	_ =	swait.ge [sflag:s11], $0x60  }
0x5c: {  	[sflag:s11] =	ssyncset.done $0x0  }
0x5d: {  	[sflag:s11] =	ssyncadd.s32 $0xFFFFFFA0  }
0x5e: {  	v3 =	vld [tilespmem:$0x0];
	_ =	sdelay $0x4  }
0x5f: {  	v52 =	vshll.u32 v3, $0x1  }
0x60: {  	v3 =	vand.u32 $0x7, v3;
	v4 =	vand.u32 $0xFFFFFFF0, v52  }
0x61: {  	v3 =	vor.u32 v3, v4  }
0x62: {  	v4 =	vperm.xlane v3, v0;
	_ =	sdelay $0x1  }
0x63: {  	v3 =	vperm.xlane v3, v2;
	v4 =	vadd.s32 v1, v4;
	_ =	sdelay $0x1  }
0x64: {  	v3 =	vadd.s32 v1, v3;
	_ =	sdelay $0x2  }
0x65: {  	[tilespmem:s12], [sflag:$0x1] =	stream.indirect_vreg.gather [hbm4b:s1+s3], $0x80, v4, vm0, $0xb8;
	[tilespmem:$0x6080] =	vst v63  }
0x66: {  	_ = 	snop  }
0x67: {  	[tilespmem:s13], [sflag:$0x1] =	stream.indirect_vreg.gather [hbm4b:s1+s3], $0x80, v3, vm0, $0xb8;
	[tilespmem:$0x6080] =	vst v63  }
0x68: {  	v3 =	vld [tilespmem:$0x10];
	_ =	sdelay $0x4  }
0x69: {  	v53 =	vshll.u32 v3, $0x1  }
0x6a: {  	v3 =	vand.u32 $0x7, v3;
	v4 =	vand.u32 $0xFFFFFFF0, v53  }
0x6b: {  	v3 =	vor.u32 v3, v4  }
0x6c: {  	v4 =	vperm.xlane v3, v0;
	_ =	sdelay $0x1  }
0x6d: {  	v3 =	vperm.xlane v3, v2;
	v4 =	vadd.s32 v1, v4;
	_ =	sdelay $0x1  }
0x6e: {  	v3 =	vadd.s32 v1, v3;
	_ =	sdelay $0x2  }
0x6f: {  	[tilespmem:s14], [sflag:$0x1] =	stream.indirect_vreg.gather [hbm4b:s1+s3], $0x80, v4, vm0, $0xb8;
	[tilespmem:$0x6080] =	vst v63  }
0x70: {  	_ = 	snop  }
0x71: {  	[tilespmem:s15], [sflag:$0x1] =	stream.indirect_vreg.gather [hbm4b:s1+s3], $0x80, v3, vm0, $0xb8;
	[tilespmem:$0x6080] =	vst v63  }
0x72: {  	v3 =	vld [tilespmem:$0x20];
	_ =	sdelay $0x4  }
0x73: {  	v54 =	vshll.u32 v3, $0x1  }
0x74: {  	v3 =	vand.u32 $0x7, v3;
	v4 =	vand.u32 $0xFFFFFFF0, v54  }
0x75: {  	v3 =	vor.u32 v3, v4  }
0x76: {  	v4 =	vperm.xlane v3, v0;
	_ =	sdelay $0x1  }
0x77: {  	v3 =	vperm.xlane v3, v2;
	v4 =	vadd.s32 v1, v4;
	_ =	sdelay $0x1  }
0x78: {  	v3 =	vadd.s32 v1, v3;
	_ =	sdelay $0x2  }
0x79: {  	[tilespmem:s16], [sflag:$0x1] =	stream.indirect_vreg.gather [hbm4b:s1+s3], $0x80, v4, vm0, $0xb8;
	[tilespmem:$0x6080] =	vst v63  }
0x7a: {  	_ = 	snop  }
0x7b: {  	[tilespmem:s17], [sflag:$0x1] =	stream.indirect_vreg.gather [hbm4b:s1+s3], $0x80, v3, vm0, $0xb8;
	[tilespmem:$0x6080] =	vst v63  }
0x7c: {  	v3 =	vld [tilespmem:$0x30];
	_ =	sdelay $0x4  }
0x7d: {  	v55 =	vshll.u32 v3, $0x1  }
0x7e: {  	v3 =	vand.u32 $0x7, v3;
	v4 =	vand.u32 $0xFFFFFFF0, v55  }
0x7f: {  	v3 =	vor.u32 v3, v4  }
0x80: {  	v4 =	vperm.xlane v3, v0;
	_ =	sdelay $0x1  }
0x81: {  	v3 =	vperm.xlane v3, v2;
	v4 =	vadd.s32 v1, v4;
	_ =	sdelay $0x1  }
0x82: {  	v3 =	vadd.s32 v1, v3;
	_ =	sdelay $0x2  }
0x83: {  	[tilespmem:s18], [sflag:$0x1] =	stream.indirect_vreg.gather [hbm4b:s1+s3], $0x80, v4, vm0, $0xb8;
	[tilespmem:$0x6080] =	vst v63  }
0x84: {  	_ = 	snop  }
0x85: {  	[tilespmem:s19], [sflag:$0x1] =	stream.indirect_vreg.gather [hbm4b:s1+s3], $0x80, v3, vm0, $0xb8;
	[tilespmem:$0x6080] =	vst v63  }
0x86: {  	v3 =	vld [tilespmem:$0x40];
	_ =	sdelay $0x4  }
0x87: {  	v56 =	vshll.u32 v3, $0x1  }
0x88: {  	v3 =	vand.u32 $0x7, v3;
	v4 =	vand.u32 $0xFFFFFFF0, v56  }
0x89: {  	v3 =	vor.u32 v3, v4  }
0x8a: {  	v4 =	vperm.xlane v3, v0;
	_ =	sdelay $0x1  }
0x8b: {  	v3 =	vperm.xlane v3, v2;
	v4 =	vadd.s32 v1, v4;
	_ =	sdelay $0x1  }
0x8c: {  	v3 =	vadd.s32 v1, v3;
	_ =	sdelay $0x2  }
0x8d: {  	[tilespmem:s20], [sflag:$0x1] =	stream.indirect_vreg.gather [hbm4b:s1+s3], $0x80, v4, vm0, $0xb8;
	[tilespmem:$0x6080] =	vst v63  }
0x8e: {  	_ = 	snop  }
0x8f: {  	[tilespmem:s21], [sflag:$0x1] =	stream.indirect_vreg.gather [hbm4b:s1+s3], $0x80, v3, vm0, $0xb8;
	[tilespmem:$0x6080] =	vst v63  }
0x90: {  	v3 =	vld [tilespmem:$0x50];
	_ =	sdelay $0x4  }
0x91: {  	v57 =	vshll.u32 v3, $0x1  }
0x92: {  	v3 =	vand.u32 $0x7, v3;
	v4 =	vand.u32 $0xFFFFFFF0, v57  }
0x93: {  	v3 =	vor.u32 v3, v4  }
0x94: {  	v4 =	vperm.xlane v3, v0;
	_ =	sdelay $0x1  }
0x95: {  	v3 =	vperm.xlane v3, v2;
	v4 =	vadd.s32 v1, v4;
	_ =	sdelay $0x1  }
0x96: {  	v3 =	vadd.s32 v1, v3;
	_ =	sdelay $0x2  }
0x97: {  	[tilespmem:s22], [sflag:$0x1] =	stream.indirect_vreg.gather [hbm4b:s1+s3], $0x80, v4, vm0, $0xb8;
	[tilespmem:$0x6080] =	vst v63  }
0x98: {  	_ = 	snop  }
0x99: {  	[tilespmem:s23], [sflag:$0x1] =	stream.indirect_vreg.gather [hbm4b:s1+s3], $0x80, v3, vm0, $0xb8;
	[tilespmem:$0x6080] =	vst v63  }
0x9a: {  	_ =	swait.ge [sflag:s24], $0x6000  }
0x9b: {  	[sflag:s24] =	ssyncset.done $0x0  }
0x9c: {  	[sflag:s24] =	ssyncadd.s32 $0xFFFFA000  }
0x9d: {  	[hbm4b:s7+s3] =	stream.linear.scatter [tilespmem:s12], [sflag:$0x2], $0x6000, $0x38;
	[tilespmem:$0x6080] =	vst v63  }
0x9e: {  	_ =	swait.ge [sflag:s11], $0x6000  }
0x9f: {  	[sflag:s11] =	ssyncset.done $0x0  }
0xa0: {  	[sflag:s11] =	ssyncadd.s32 $0xFFFFA000  }
0xa1: {  	[tilespmem:s3], [sflag:$0x2] =	stream.linear.gather [hbm4b:s8+s3], $0x60, $0x38;
	[tilespmem:$0x6080] =	vst v63  }
0xa2: {  	_ =	swait.ge [sflag:s11], $0x60  }
0xa3: {  	[sflag:s11] =	ssyncset.done $0x0  }
0xa4: {  	[sflag:s11] =	ssyncadd.s32 $0xFFFFFFA0  }
0xa5: {  	v3 =	vld [tilespmem:$0x0];
	_ =	sdelay $0x4  }
0xa6: {  	v58 =	vshll.u32 v3, $0x1  }
0xa7: {  	v3 =	vand.u32 $0x7, v3;
	v4 =	vand.u32 $0xFFFFFFF0, v58  }
0xa8: {  	v3 =	vor.u32 v3, v4  }
0xa9: {  	v4 =	vperm.xlane v3, v0;
	_ =	sdelay $0x1  }
0xaa: {  	v3 =	vperm.xlane v3, v2;
	v4 =	vadd.s32 v1, v4;
	_ =	sdelay $0x1  }
0xab: {  	v3 =	vadd.s32 v1, v3;
	_ =	sdelay $0x2  }
0xac: {  	[tilespmem:s12], [sflag:$0x1] =	stream.indirect_vreg.gather [hbm4b:s1+s3], $0x80, v4, vm0, $0xb8;
	[tilespmem:$0x6080] =	vst v63  }
0xad: {  	_ = 	snop  }
0xae: {  	[tilespmem:s13], [sflag:$0x1] =	stream.indirect_vreg.gather [hbm4b:s1+s3], $0x80, v3, vm0, $0xb8;
	[tilespmem:$0x6080] =	vst v63  }
0xaf: {  	v3 =	vld [tilespmem:$0x10];
	_ =	sdelay $0x4  }
0xb0: {  	v59 =	vshll.u32 v3, $0x1  }
0xb1: {  	v3 =	vand.u32 $0x7, v3;
	v4 =	vand.u32 $0xFFFFFFF0, v59  }
0xb2: {  	v3 =	vor.u32 v3, v4  }
0xb3: {  	v4 =	vperm.xlane v3, v0;
	_ =	sdelay $0x1  }
0xb4: {  	v3 =	vperm.xlane v3, v2;
	v4 =	vadd.s32 v1, v4;
	_ =	sdelay $0x1  }
0xb5: {  	v3 =	vadd.s32 v1, v3;
	_ =	sdelay $0x2  }
0xb6: {  	[tilespmem:s14], [sflag:$0x1] =	stream.indirect_vreg.gather [hbm4b:s1+s3], $0x80, v4, vm0, $0xb8;
	[tilespmem:$0x6080] =	vst v63  }
0xb7: {  	_ = 	snop  }
0xb8: {  	[tilespmem:s15], [sflag:$0x1] =	stream.indirect_vreg.gather [hbm4b:s1+s3], $0x80, v3, vm0, $0xb8;
	[tilespmem:$0x6080] =	vst v63  }
0xb9: {  	v3 =	vld [tilespmem:$0x20];
	_ =	sdelay $0x4  }
0xba: {  	v60 =	vshll.u32 v3, $0x1  }
0xbb: {  	v3 =	vand.u32 $0x7, v3;
	v4 =	vand.u32 $0xFFFFFFF0, v60  }
0xbc: {  	v3 =	vor.u32 v3, v4  }
0xbd: {  	v4 =	vperm.xlane v3, v0;
	_ =	sdelay $0x1  }
0xbe: {  	v3 =	vperm.xlane v3, v2;
	v4 =	vadd.s32 v1, v4;
	_ =	sdelay $0x1  }
0xbf: {  	v3 =	vadd.s32 v1, v3;
	_ =	sdelay $0x2  }
0xc0: {  	[tilespmem:s16], [sflag:$0x1] =	stream.indirect_vreg.gather [hbm4b:s1+s3], $0x80, v4, vm0, $0xb8;
	[tilespmem:$0x6080] =	vst v63  }
0xc1: {  	_ = 	snop  }
0xc2: {  	[tilespmem:s17], [sflag:$0x1] =	stream.indirect_vreg.gather [hbm4b:s1+s3], $0x80, v3, vm0, $0xb8;
	[tilespmem:$0x6080] =	vst v63  }
0xc3: {  	v3 =	vld [tilespmem:$0x30];
	_ =	sdelay $0x4  }
0xc4: {  	v61 =	vshll.u32 v3, $0x1  }
0xc5: {  	v3 =	vand.u32 $0x7, v3;
	v4 =	vand.u32 $0xFFFFFFF0, v61  }
0xc6: {  	v3 =	vor.u32 v3, v4  }
0xc7: {  	v4 =	vperm.xlane v3, v0;
	_ =	sdelay $0x1  }
0xc8: {  	v3 =	vperm.xlane v3, v2;
	v4 =	vadd.s32 v1, v4;
	_ =	sdelay $0x1  }
0xc9: {  	v3 =	vadd.s32 v1, v3;
	_ =	sdelay $0x2  }
0xca: {  	[tilespmem:s18], [sflag:$0x1] =	stream.indirect_vreg.gather [hbm4b:s1+s3], $0x80, v4, vm0, $0xb8;
	[tilespmem:$0x6080] =	vst v63  }
0xcb: {  	_ = 	snop  }
0xcc: {  	[tilespmem:s19], [sflag:$0x1] =	stream.indirect_vreg.gather [hbm4b:s1+s3], $0x80, v3, vm0, $0xb8;
	[tilespmem:$0x6080] =	vst v63  }
0xcd: {  	v3 =	vld [tilespmem:$0x40];
	_ =	sdelay $0x4  }
0xce: {  	v62 =	vshll.u32 v3, $0x1  }
0xcf: {  	v3 =	vand.u32 $0x7, v3;
	v4 =	vand.u32 $0xFFFFFFF0, v62  }
0xd0: {  	v3 =	vor.u32 v3, v4  }
0xd1: {  	v4 =	vperm.xlane v3, v0;
	_ =	sdelay $0x1  }
0xd2: {  	v3 =	vperm.xlane v3, v2;
	v4 =	vadd.s32 v1, v4;
	_ =	sdelay $0x1  }
0xd3: {  	v3 =	vadd.s32 v1, v3;
	_ =	sdelay $0x2  }
0xd4: {  	[tilespmem:s20], [sflag:$0x1] =	stream.indirect_vreg.gather [hbm4b:s1+s3], $0x80, v4, vm0, $0xb8;
	[tilespmem:$0x6080] =	vst v63  }
0xd5: {  	_ = 	snop  }
0xd6: {  	[tilespmem:s21], [sflag:$0x1] =	stream.indirect_vreg.gather [hbm4b:s1+s3], $0x80, v3, vm0, $0xb8;
	[tilespmem:$0x6080] =	vst v63  }
0xd7: {  	v3 =	vld [tilespmem:$0x50];
	_ =	sdelay $0x4  }
0xd8: {  	v63 =	vshll.u32 v3, $0x1  }
0xd9: {  	v3 =	vand.u32 $0x7, v3;
	v4 =	vand.u32 $0xFFFFFFF0, v63  }
0xda: {  	v3 =	vor.u32 v3, v4  }
0xdb: {  	v4 =	vperm.xlane v3, v0;
	_ =	sdelay $0x1  }
0xdc: {  	v3 =	vperm.xlane v3, v2;
	v4 =	vadd.s32 v1, v4;
	_ =	sdelay $0x1  }
0xdd: {  	v3 =	vadd.s32 v1, v3;
	_ =	sdelay $0x2  }
0xde: {  	[tilespmem:s22], [sflag:$0x1] =	stream.indirect_vreg.gather [hbm4b:s1+s3], $0x80, v4, vm0, $0xb8;
	[tilespmem:$0x6080] =	vst v63  }
0xdf: {  	_ = 	snop  }
0xe0: {  	[tilespmem:s23], [sflag:$0x1] =	stream.indirect_vreg.gather [hbm4b:s1+s3], $0x80, v3, vm0, $0xb8;
	[tilespmem:$0x6080] =	vst v63  }
0xe1: {  	_ =	swait.ge [sflag:s24], $0x6000  }
0xe2: {  	p0 =	sne.s32 s10, $0x1;
	[sflag:s24] =	ssyncset.done $0x0  }
.Ltmp0:
0xe3: {  	[sflag:s24] =	ssyncadd.s32 $0xFFFFA000;
	(pc) =	sbr.rel @p0 .LBB2_1-.Ltmp0, $4  }
0xe4: {  	[hbm4b:s9+s3] =	stream.linear.scatter [tilespmem:s12], [sflag:$0x2], $0x6000, $0x38;
	[tilespmem:$0x6080] =	vst v63  }
0xe5: {  	_ =	swait.ge [sflag:s11], $0x6000  }
0xe6: {  	[sflag:s11] =	ssyncset.done $0x0  }
0xe7: {  	s10 =	sadd.s32 $0xFFFFFFFF, s10;
	[sflag:s11] =	ssyncadd.s32 $0xFFFFA000  }
0xe8: {  	_ =	sfence.sel $0x180000  }
0xe9: {  	[bflag:$0x0] =	sbarrier.arrive $0xFFFF  }
0xea: {  	p0 =	sne.s32 s2, $0x0;
	_ =	strace $0x90000047  }
0xeb: {  	s0 =	sadd.s32 @!p0 $0x100000, s0;
	[bflag:$0x2] =	sbarrier.arrive $0xFFFF  }
0xec: {  	[sflag:s0] =	ssyncadd.tile.s32 @!p0 $0x1;
	_ =	shalt  }
.Lfunc_end2:
_tile_overlayer_lowered:
.L_overlay_start_2:
0xed: {  	(tag) =	ssettag $0x2  }
0xee: {  	s0 =	rddreg [dreg:$0x0];
	s2 =	stileid.u32  }
0xef: {  	s1 =	rddreg [dreg:$0x1];
	p0 =	sne.s32 s2, $0x0  }
0xf0: {  	s3 =	rddreg [dreg:$0x2];
	[bflag:$0x3] =	sbarrier.arrive $0xFFFF;
	s2 =	simm.s32 @!p0 $0x1C02  }
0xf1: {  	[timem:s3], [sflag:s2] =	dma.local @!p0 [hbm:s0], s1  }
0xf2: {  	s0 =	simm.s32 @!p0 $0x2  }
0xf3: {  	_ =	swait.ge @!p0 [sflag:s0], s1  }
0xf4: {  	s1 =	ssub.s32 @!p0 $0x0, s1;
	[sflag:s0] =	ssyncset.done @!p0 $0x0  }
0xf5: {  	[sflag:s0] =	ssyncadd.s32 @!p0 s1  }
0xf6: {  	[bflag:$0x3] =	sbarrier.arrive $0xFFFF  }
0xf7: {  	_ =	shalt  }

</sc_bundles>
